<compile_context>
chip_gen: v7x
topology: tpu7x:2x2x1
jax: 0.10.2.dev20260603
libtpu: 0.0.44.dev20260713+nightly
codegen_flags: <defaults>
</compile_context>

<pallas_src>
import functools

import jax
import jax.numpy as jnp
from jax import lax
from jax.experimental import pallas as pl
from jax.experimental.pallas import tpu as pltpu
from jax.experimental.pallas import tpu_sc as plsc

N = 10000
E = 320000
NF = 16
EF = 16
IN = NF
OUT = 2 * NF
LEAK = 0.1
EPS = 1e-5

NC = 2
NS = 16
NW = NC * NS
EW = E // NW

@functools.lru_cache(maxsize=None)
def _sc_mesh():
    return plsc.VectorSubcoreMesh(core_axis_name="c", subcore_axis_name="s",
                                  num_cores=NC, num_subcores=NS)


def _lrelu(v):
    return jnp.where(v >= 0, v, LEAK * v)


EQ = E // 8
_BE = 1600


def _fold16(s):
    for w in (64, 32, 16):
        s = s[:, 0:w] + s[:, w:2 * w]
    return s


def _stats_body(e_ref, sum_ref, sq_ref):
    i = pl.program_id(0)
    eb = e_ref[...]
    s = _fold16(jnp.sum(eb, axis=0, keepdims=True))
    q = _fold16(jnp.sum(eb * eb, axis=0, keepdims=True))

    @pl.when(i == 0)
    def _():
        sum_ref[...] = s
        sq_ref[...] = q

    @pl.when(i > 0)
    def _():
        sum_ref[...] += s
        sq_ref[...] += q


def _stats(ep):
    return pl.pallas_call(
        _stats_body,
        grid=(EQ // _BE,),
        in_specs=[pl.BlockSpec((_BE, 128), lambda i: (i, 0))],
        out_specs=[pl.BlockSpec((1, EF), lambda i: (0, 0)),
                   pl.BlockSpec((1, EF), lambda i: (0, 0))],
        out_shape=[jax.ShapeDtypeStruct((1, EF), jnp.float32),
                   jax.ShapeDtypeStruct((1, EF), jnp.float32)],
    )(ep)


def _prep_body(x_ref, esum_ref, esq_ref, gn_ref, bn_ref, ge_ref, be_ref,
               rw_ref, rb_ref,
               root_ref, xsc_ref, xsh_ref, esc_ref, esh_ref):
    x = x_ref[...]
    xm = jnp.mean(x, axis=0, keepdims=True)
    xv = jnp.mean(x * x, axis=0, keepdims=True) - xm * xm
    xsc = gn_ref[...] * lax.rsqrt(xv + EPS)
    xsh = bn_ref[...] - xm * xsc
    em = esum_ref[...] * (1.0 / E)
    ev = esq_ref[...] * (1.0 / E) - em * em
    esc = ge_ref[...] * lax.rsqrt(ev + EPS)
    esh = be_ref[...] - em * esc
    xb = x * xsc + xsh
    root_ref[...] = (jnp.dot(xb, rw_ref[...], preferred_element_type=jnp.float32)
                     + rb_ref[...])
    xsc_ref[...] = xsc
    xsh_ref[...] = xsh
    esc_ref[...] = esc
    esh_ref[...] = esh


def _prep(x, esum, esq, gn, bn, ge, be, rw, rb):
    v16 = jax.ShapeDtypeStruct((1, NF), jnp.float32)
    return pl.pallas_call(
        _prep_body,
        out_shape=[jax.ShapeDtypeStruct((N, OUT), jnp.float32), v16, v16, v16, v16],
    )(x, esum, esq, gn, bn, ge, be, rw, rb)


_C2 = 2000


def _gather_x_body(x_hbm, src_hbm, out_hbm, idx_v, rows_v, sem):
    wid = lax.axis_index("s") * NC + lax.axis_index("c")
    base = wid * EW

    def step(j, carry):
        off = pl.multiple_of(base + j * _C2, 8)
        pltpu.sync_copy(src_hbm.at[pl.ds(off, _C2)], idx_v)
        pltpu.async_copy(x_hbm.at[idx_v], rows_v, sem).wait()
        pltpu.sync_copy(rows_v, out_hbm.at[pl.ds(off, _C2)])
        return carry

    lax.fori_loop(0, EW // _C2, step, 0)


@functools.lru_cache(maxsize=None)
def _gather_x():
    return pl.kernel(
        _gather_x_body,
        out_type=jax.ShapeDtypeStruct((E, NF), jnp.float32),
        mesh=_sc_mesh(),
        compiler_params=pltpu.CompilerParams(use_tc_tiling_on_sc=False),
        scratch_types=[pltpu.VMEM((_C2,), jnp.int32),
                       pltpu.VMEM((_C2, NF), jnp.float32),
                       pltpu.SemaphoreType.DMA])


_BQ = 800


def _msg_body(ep_ref, xsp_ref, w1b_ref, b1b_ref, w2b_ref, b2b_ref,
              rxb_ref, shx_ref, outa_ref, outb_ref):
    f32 = jnp.float32
    bf16 = jnp.bfloat16
    hP = _lrelu(jnp.dot(ep_ref[...].astype(bf16), w1b_ref[...],
                        preferred_element_type=f32)
                + b1b_ref[...])
    zP = _lrelu(jnp.dot(hP.astype(bf16), w2b_ref[...],
                        preferred_element_type=f32)
                + b2b_ref[...])
    xeP = (jnp.dot(xsp_ref[...].astype(bf16), rxb_ref[...],
                   preferred_element_type=f32)
           + shx_ref[...])
    p = xeP * zP
    groups = []
    for g in range(8):
        q = p[:, g * 512:g * 512 + 256] + p[:, g * 512 + 256:g * 512 + 512]
        for w in (128, 64, 32):
            q = q[:, 0:w] + q[:, w:2 * w]
        groups.append(q)
    outa_ref[...] = jnp.concatenate(groups[0:4], axis=1)
    outb_ref[...] = jnp.concatenate(groups[4:8], axis=1)


def _msg(ep, xsp, w1b, b1b, w2b, b2b, rxb, shx):
    c = lambda i: (0, 0)
    return pl.pallas_call(
        _msg_body,
        grid=(EQ // _BQ,),
        in_specs=[pl.BlockSpec((_BQ, 128), lambda i: (i, 0)),
                  pl.BlockSpec((_BQ, 128), lambda i: (i, 0)),
                  pl.BlockSpec((128, 128), c), pl.BlockSpec((1, 128), c),
                  pl.BlockSpec((128, 8 * IN * OUT), c),
                  pl.BlockSpec((1, 8 * IN * OUT), c),
                  pl.BlockSpec((128, 8 * IN * OUT), c),
                  pl.BlockSpec((1, 8 * IN * OUT), c)],
        out_specs=[pl.BlockSpec((_BQ, 128), lambda i: (i, 0)),
                   pl.BlockSpec((_BQ, 128), lambda i: (i, 0))],
        out_shape=[jax.ShapeDtypeStruct((EQ, 128), jnp.float32),
                   jax.ShapeDtypeStruct((EQ, 128), jnp.float32)],
    )(ep, xsp, w1b, b1b, w2b, b2b, rxb, shx)


EH = E // 2
EHW = EH // NW
_C4 = 1000


def _scatter_msg_body(ma_hbm, mb_hbm, da_hbm, db_hbm, zero_hbm, out_hbm,
                      idx_v, upd_v, acc_sh):
    cid = lax.axis_index("c")
    sid = lax.axis_index("s")

    @pl.when(sid == 0)
    def _():
        pltpu.sync_copy(zero_hbm, acc_sh)

    plsc.subcore_barrier()
    base = (sid * NC + cid) * EHW

    def step(j, carry):
        off = pl.multiple_of(base + j * _C4, 8)
        pltpu.sync_copy(da_hbm.at[pl.ds(off, _C4)], idx_v)
        pltpu.sync_copy(ma_hbm.at[pl.ds(off, _C4)], upd_v)
        pltpu.sync_copy(upd_v, acc_sh.at[idx_v], add=True)
        pltpu.sync_copy(db_hbm.at[pl.ds(off, _C4)], idx_v)
        pltpu.sync_copy(mb_hbm.at[pl.ds(off, _C4)], upd_v)
        pltpu.sync_copy(upd_v, acc_sh.at[idx_v], add=True)
        return carry

    lax.fori_loop(0, EHW // _C4, step, 0)
    plsc.subcore_barrier()

    @pl.when(sid == 0)
    def _():
        pltpu.sync_copy(acc_sh, out_hbm.at[cid])


@functools.lru_cache(maxsize=None)
def _scatter_msg():
    return pl.kernel(
        _scatter_msg_body,
        out_type=jax.ShapeDtypeStruct((NC, N, OUT), jnp.float32),
        mesh=_sc_mesh(),
        compiler_params=pltpu.CompilerParams(use_tc_tiling_on_sc=False),
        scratch_types=[pltpu.VMEM((_C4,), jnp.int32),
                       pltpu.VMEM((_C4, OUT), jnp.float32),
                       pltpu.VMEM_SHARED((N, OUT), jnp.float32)])


def _blk(m):
    return jnp.kron(jnp.eye(8, dtype=m.dtype), m)


def _combine_body(p0_ref, p1_ref, root_ref, w1a_ref, w1b_ref, out_ref):
    f32 = jnp.float32
    node = p0_ref[...] + p1_ref[...] + root_ref[...]
    a = jnp.dot(node, w1a_ref[...], preferred_element_type=f32)
    b = jnp.dot(node, w1b_ref[...], preferred_element_type=f32)
    out_ref[...] = jnp.concatenate([a, b], axis=1)


def _combine(p0, p1, root, w1a, w1b):
    return pl.pallas_call(
        _combine_body,
        out_shape=jax.ShapeDtypeStruct((N, 128), jnp.float32),
    )(p0, p1, root, w1a, w1b)


_C6 = 1000


def _gather_n_body(nodes_hbm, src_hbm, dst_hbm, osrc_hbm, odst_hbm,
                   idx_s, idx_d, rows_v, sem):
    wid = lax.axis_index("s") * NC + lax.axis_index("c")
    base = wid * (EW // 2)

    def step(j, carry):
        off = pl.multiple_of(base + j * _C6, 8)
        pltpu.sync_copy(src_hbm.at[pl.ds(off, _C6)], idx_s)
        pltpu.sync_copy(dst_hbm.at[pl.ds(off, _C6)], idx_d)
        pltpu.async_copy(nodes_hbm.at[idx_s], rows_v, sem).wait()
        pltpu.sync_copy(rows_v, osrc_hbm.at[pl.ds(off, _C6)])
        pltpu.async_copy(nodes_hbm.at[idx_d], rows_v, sem).wait()
        pltpu.sync_copy(rows_v, odst_hbm.at[pl.ds(off, _C6)])
        return carry

    lax.fori_loop(0, EW // 2 // _C6, step, 0)


@functools.lru_cache(maxsize=None)
def _gather_n():
    return pl.kernel(
        _gather_n_body,
        out_type=(jax.ShapeDtypeStruct((E // 2, 128), jnp.float32),
                  jax.ShapeDtypeStruct((E // 2, 128), jnp.float32)),
        mesh=_sc_mesh(),
        compiler_params=pltpu.CompilerParams(use_tc_tiling_on_sc=False),
        scratch_types=[pltpu.VMEM((_C6,), jnp.int32),
                       pltpu.VMEM((_C6,), jnp.int32),
                       pltpu.VMEM((_C6, 128), jnp.float32),
                       pltpu.SemaphoreType.DMA])


_B7 = 6400


def _mlp_body(e_ref, gs_ref, gd_ref, esc_ref, esh_ref,
              w1c_ref, b1_ref, w2_ref, b2_ref, w3_ref, b3_ref,
              w4_ref, b4_ref, w5_ref, b5_ref, out_ref):
    f32 = jnp.float32
    eb = e_ref[...] * esc_ref[...] + esh_ref[...]
    z = (gs_ref[:, 0:64] + gd_ref[:, 64:128]
         + jnp.dot(eb, w1c_ref[...], preferred_element_type=f32)
         + b1_ref[...])
    z = _lrelu(z)
    z = _lrelu(jnp.dot(z, w2_ref[...], preferred_element_type=f32) + b2_ref[...])
    z = _lrelu(jnp.dot(z, w3_ref[...], preferred_element_type=f32) + b3_ref[...])
    z = _lrelu(jnp.dot(z, w4_ref[...], preferred_element_type=f32) + b4_ref[...])
    out_ref[...] = jnp.dot(z, w5_ref[...], preferred_element_type=f32) + b5_ref[...]


def _mlp(e, gs, gd, esc, esh, w1c, b1, w2, b2, w3, b3, w4, b4, w5, b5, half):
    c = lambda i: (0, 0)
    hoff = half * (E // 2 // _B7)
    return pl.pallas_call(
        _mlp_body,
        grid=(E // 2 // _B7,),
        in_specs=[pl.BlockSpec((_B7, EF), lambda i: (i + hoff, 0)),
                  pl.BlockSpec((_B7, 128), lambda i: (i, 0)),
                  pl.BlockSpec((_B7, 128), lambda i: (i, 0)),
                  pl.BlockSpec((1, EF), c), pl.BlockSpec((1, EF), c),
                  pl.BlockSpec((EF, 64), c), pl.BlockSpec((1, 64), c),
                  pl.BlockSpec((64, 32), c), pl.BlockSpec((1, 32), c),
                  pl.BlockSpec((32, 16), c), pl.BlockSpec((1, 16), c),
                  pl.BlockSpec((16, 8), c), pl.BlockSpec((1, 8), c),
                  pl.BlockSpec((8, 2), c), pl.BlockSpec((1, 2), c)],
        out_specs=pl.BlockSpec((_B7, 2), lambda i: (i, 0)),
        out_shape=jax.ShapeDtypeStruct((E // 2, 2), jnp.float32),
    )(e, gs, gd, esc, esh, w1c, b1, w2, b2, w3, b3, w4, b4, w5, b5)


def kernel(x, edge_index, e, xbatch, bn_node_gamma, bn_node_beta,
           bn_edge_gamma, bn_edge_beta, nn_w1, nn_b1, nn_w2, nn_b2,
           conv_root, conv_bias, ep_w1, ep_b1, ep_w2, ep_b2, ep_w3, ep_b3,
           ep_w4, ep_b4, ep_w5, ep_b5):
    src = edge_index[0]
    dst = edge_index[1]
    r2 = lambda v: v.reshape(1, -1)
    ep = e.reshape(EQ, 128)

    esum, esq = _stats(ep)
    root, xsc, xsh, esc, esh = _prep(
        x, esum, esq, r2(bn_node_gamma), r2(bn_node_beta),
        r2(bn_edge_gamma), r2(bn_edge_beta), conv_root, r2(conv_bias))

    xsp = _gather_x()(x, src).reshape(EQ, 128)

    rep = jnp.repeat(jnp.eye(NF, dtype=jnp.float32), OUT, axis=1)
    w1b = _blk(esc.reshape(EF, 1) * nn_w1).astype(jnp.bfloat16)
    b1b = jnp.tile(esh @ nn_w1 + nn_b1.reshape(1, IN), (1, 8))
    w2b = _blk(nn_w2).astype(jnp.bfloat16)
    b2b = jnp.tile(nn_b2.reshape(1, IN * OUT), (1, 8))
    rxb = _blk(xsc.reshape(NF, 1) * rep).astype(jnp.bfloat16)
    shx = jnp.tile(xsh @ rep, (1, 8))
    msga, msgb = _msg(ep, xsp, w1b, b1b, w2b, b2b, rxb, shx)

    dst8 = dst.reshape(EQ, 8)
    dsta = dst8[:, 0:4].reshape(-1)
    dstb = dst8[:, 4:8].reshape(-1)
    zeros = jnp.zeros((N, OUT), jnp.float32)
    partials = _scatter_msg()(msga.reshape(EH, OUT), msgb.reshape(EH, OUT),
                              dsta, dstb, zeros)
    tbl = _combine(partials[0], partials[1], root,
                   ep_w1[0:OUT], ep_w1[OUT:2 * OUT])

    mlp_w = (ep_w1[2 * OUT:2 * OUT + EF], r2(ep_b1), ep_w2, r2(ep_b2),
             ep_w3, r2(ep_b3), ep_w4, r2(ep_b4), ep_w5, r2(ep_b5))
    outs = []
    for h in range(2):
        sl = slice(h * (E // 2), (h + 1) * (E // 2))
        gs, gd = _gather_n()(tbl, src[sl], dst[sl])
        outs.append(_mlp(e, gs, gd, esc, esh, *mlp_w, half=h))
    return jnp.concatenate(outs, axis=0)

# --- scband reference (transcript-rebuilt; emitter-appended) ---
"""Pipeline reference for scband-full-nnconv-model-55284819034827 (READ-ONLY COPY).

The authoritative reference and input builder live on the scoring server;
editing this copy changes nothing except your own understanding.
"""

import jax, jax.numpy as jnp
import numpy as np

N = 10000
E = 320000
NF = 16
EF = 16
IN = NF
OUT = 2 * NF
LEAK = 0.1
EPS = 1e-5


def _lin_init(key, fin, fout):
    k1, k2 = jax.random.split(key)
    lim = 1.0 / np.sqrt(fin)
    W = jax.random.uniform(k1, (fin, fout), jnp.float32, -lim, lim)
    b = jax.random.uniform(k2, (fout,), jnp.float32, -lim, lim)
    return W, b


def setup_inputs(seed: int = 0):
    key = jax.random.key(seed)
    ks = jax.random.split(key, 16)
    inp = {}
    inp["x"] = jax.random.normal(ks[0], (N, NF), dtype=jnp.float32)
    inp["edge_index"] = jax.random.randint(ks[1], (2, E), 0, N, dtype=jnp.int32)
    inp["e"] = jax.random.normal(ks[2], (E, EF), dtype=jnp.float32)
    inp["xbatch"] = jnp.zeros((N,), dtype=jnp.int32)
    inp["bn_node_gamma"] = jnp.ones((NF,), jnp.float32)
    inp["bn_node_beta"] = jnp.zeros((NF,), jnp.float32)
    inp["bn_edge_gamma"] = jnp.ones((EF,), jnp.float32)
    inp["bn_edge_beta"] = jnp.zeros((EF,), jnp.float32)
    inp["nn_w1"], inp["nn_b1"] = _lin_init(ks[3], EF, IN)
    inp["nn_w2"], inp["nn_b2"] = _lin_init(ks[4], IN, IN * OUT)
    lim = 1.0 / np.sqrt(IN)
    inp["conv_root"] = jax.random.uniform(ks[5], (IN, OUT), jnp.float32, -lim, lim)
    inp["conv_bias"] = jnp.zeros((OUT,), jnp.float32)
    inp["ep_w1"], inp["ep_b1"] = _lin_init(ks[6], 2 * OUT + EF, 64)
    inp["ep_w2"], inp["ep_b2"] = _lin_init(ks[7], 64, 32)
    inp["ep_w3"], inp["ep_b3"] = _lin_init(ks[8], 32, 16)
    inp["ep_w4"], inp["ep_b4"] = _lin_init(ks[9], 16, 8)
    inp["ep_w5"], inp["ep_b5"] = _lin_init(ks[10], 8, 2)
    return inp


def _bn(v, gamma, beta):
    mean = jnp.mean(v, axis=0)
    var = jnp.var(v, axis=0)
    return (v - mean) / jnp.sqrt(var + EPS) * gamma + beta


def _lrelu(v):
    return jax.nn.leaky_relu(v, negative_slope=LEAK)


def reference(x, edge_index, e, xbatch, bn_node_gamma, bn_node_beta, bn_edge_gamma, bn_edge_beta, nn_w1, nn_b1, nn_w2, nn_b2, conv_root, conv_bias, ep_w1, ep_b1, ep_w2, ep_b2, ep_w3, ep_b3, ep_w4, ep_b4, ep_w5, ep_b5):
    # BatchNorm1d (training mode: batch statistics, biased variance)
    e_bn = _bn(e, bn_edge_gamma, bn_edge_beta)
    x_bn = _bn(x, bn_node_gamma, bn_node_beta)
    src = edge_index[0]
    dst = edge_index[1]
    # NNConv: edge-conditioned per-edge weight matrix via nn1 MLP
    h = _lrelu(e_bn @ nn_w1 + nn_b1)
    w = _lrelu(h @ nn_w2 + nn_b2).reshape(E, IN, OUT)
    msg = jnp.einsum('ei,eio->eo', x_bn[src], w)
    agg = jnp.zeros((N, OUT), jnp.float32).at[dst].add(msg)
    node_out = agg + x_bn @ conv_root + conv_bias
    # MetaLayer edge model: cat([x[row], x[col], edge_attr]) -> MLP -> [E, 2]
    cat = jnp.concatenate([node_out[src], node_out[dst], e_bn], axis=1)
    z = _lrelu(cat @ ep_w1 + ep_b1)
    z = _lrelu(z @ ep_w2 + ep_b2)
    z = _lrelu(z @ ep_w3 + ep_b3)
    z = _lrelu(z @ ep_w4 + ep_b4)
    e_out = z @ ep_w5 + ep_b5
    return e_out

if __name__ == "__main__":
    import jax
    _d = setup_inputs()
    print(jax.jit(kernel)(*tuple(_d.values())))

</pallas_src>

<mosaic_0001>
#map = affine_map<(d0, d1) -> (0, 0)>
#map1 = affine_map<(d0, d1) -> (0)>
module attributes {stable_mosaic.version = 14 : i64} {
  func.func @_gather_n_body(%arg0: i32, %arg1: i32, %arg2: memref<10000x128xf32, #tpu.memory_space<hbm>>, %arg3: memref<160000xi32, #tpu.memory_space<hbm>>, %arg4: memref<160000xi32, #tpu.memory_space<hbm>>, %arg5: memref<160000x128xf32, #tpu.memory_space<hbm>>, %arg6: memref<160000x128xf32, #tpu.memory_space<hbm>>, %arg7: memref<1000xi32, #tpu.memory_space<vmem>>, %arg8: memref<1000xi32, #tpu.memory_space<vmem>>, %arg9: memref<1000x128xf32, #tpu.memory_space<vmem>>, %arg10: memref<!tpu.dma_semaphore, #tpu.memory_space<semaphore_mem>>) attributes {dimension_semantics = [#tpu.dimension_semantics<core_parallel>, #tpu.dimension_semantics<subcore_parallel>], iteration_bounds = array<i64: 2, 16>, scalar_prefetch = 0 : i64, scratch_operands = 4 : i64, tpu.core_type = #tpu.core_type<sc_vector_subcore>, window_params = [{transform_indices = #map}, {transform_indices = #map1}, {transform_indices = #map1}, {transform_indices = #map}, {transform_indices = #map}]} {
    %mul3A = arith.constant 2 : i32
    %mul3A_0 = arith.muli %arg1, %mul3A : i32
    %add3A = arith.addi %mul3A_0, %arg0 : i32
    %mul3A_1 = arith.constant 5000 : i32
    %mul3A_2 = arith.muli %add3A, %mul3A_1 : i32
    %scan3A = arith.constant 0 : i32
    %scan3A_3 = arith.constant 0 : i32
    %scan3A_4 = arith.constant 5 : i32
    %scan3A_5 = arith.addi %scan3A_3, %scan3A_4 : i32
    %scan3A_6 = arith.constant 1 : i32
    scf.for %scan3A_8 = %scan3A_3 to %scan3A_5 step %scan3A_6  : i32 {
      %mul3A_9 = arith.constant 1000 : i32
      %mul3A_10 = arith.muli %scan3A_8, %mul3A_9 : i32
      %add3A_11 = arith.addi %mul3A_2, %mul3A_10 : i32
      %multiple_of3A = tpu.assume_multiple %add3A_11, 8 : i32
      "tpu.region"() ({
        %run_scoped3A = tpu.sem_alloc : memref<!tpu.dma_semaphore, #tpu.memory_space<semaphore_mem>>
        %dma_start3A_22 = tpu.memref_slice %arg3[%multiple_of3A] : memref<160000xi32, #tpu.memory_space<hbm>> -> memref<1000xi32, #tpu.memory_space<hbm>>
        %dma_start3A_23 = tpu.memref_slice %arg3[%multiple_of3A] : memref<160000xi32, #tpu.memory_space<hbm>> -> memref<1000xi32, #tpu.memory_space<hbm>>
        tpu.enqueue_dma source(%dma_start3A_23 : memref<1000xi32, #tpu.memory_space<hbm>>) target(%arg7 : memref<1000xi32, #tpu.memory_space<vmem>>) target_semaphore(%run_scoped3A : memref<!tpu.dma_semaphore, #tpu.memory_space<semaphore_mem>>)
        %dma_wait3A_24 = tpu.memref_slice %arg3[%multiple_of3A] : memref<160000xi32, #tpu.memory_space<hbm>> -> memref<1000xi32, #tpu.memory_space<hbm>>
        %dma_wait3A_25 = tpu.memref_slice %arg3[%multiple_of3A] : memref<160000xi32, #tpu.memory_space<hbm>> -> memref<1000xi32, #tpu.memory_space<hbm>>
        tpu.wait_dma2 semaphore(%run_scoped3A : memref<!tpu.dma_semaphore, #tpu.memory_space<semaphore_mem>>) src(%dma_wait3A_25 : memref<1000xi32, #tpu.memory_space<hbm>>) dst(%arg7 : memref<1000xi32, #tpu.memory_space<vmem>>)
        tpu.yield
      }) : () -> ()
      "tpu.region"() ({
        %run_scoped3A = tpu.sem_alloc : memref<!tpu.dma_semaphore, #tpu.memory_space<semaphore_mem>>
        %dma_start3A_22 = tpu.memref_slice %arg4[%multiple_of3A] : memref<160000xi32, #tpu.memory_space<hbm>> -> memref<1000xi32, #tpu.memory_space<hbm>>
        %dma_start3A_23 = tpu.memref_slice %arg4[%multiple_of3A] : memref<160000xi32, #tpu.memory_space<hbm>> -> memref<1000xi32, #tpu.memory_space<hbm>>
        tpu.enqueue_dma source(%dma_start3A_23 : memref<1000xi32, #tpu.memory_space<hbm>>) target(%arg8 : memref<1000xi32, #tpu.memory_space<vmem>>) target_semaphore(%run_scoped3A : memref<!tpu.dma_semaphore, #tpu.memory_space<semaphore_mem>>)
        %dma_wait3A_24 = tpu.memref_slice %arg4[%multiple_of3A] : memref<160000xi32, #tpu.memory_space<hbm>> -> memref<1000xi32, #tpu.memory_space<hbm>>
        %dma_wait3A_25 = tpu.memref_slice %arg4[%multiple_of3A] : memref<160000xi32, #tpu.memory_space<hbm>> -> memref<1000xi32, #tpu.memory_space<hbm>>
        tpu.wait_dma2 semaphore(%run_scoped3A : memref<!tpu.dma_semaphore, #tpu.memory_space<semaphore_mem>>) src(%dma_wait3A_25 : memref<1000xi32, #tpu.memory_space<hbm>>) dst(%arg8 : memref<1000xi32, #tpu.memory_space<vmem>>)
        tpu.yield
      }) : () -> ()
      %dma_start3A = arith.constant 0 : i32
      %dma_start3A_12 = arith.constant 0 : i32
      %dma_start3A_13 = tpu.memref_slice %arg2[%dma_start3A, %dma_start3A_12] : memref<10000x128xf32, #tpu.memory_space<hbm>> -> memref<10000x128xf32, #tpu.memory_space<hbm>>
      tpu.enqueue_indirect_dma source(%dma_start3A_13 : memref<10000x128xf32, #tpu.memory_space<hbm>>) target(%arg9 : memref<1000x128xf32, #tpu.memory_space<vmem>>) offsets(%arg7 : memref<1000xi32, #tpu.memory_space<vmem>>) semaphore(%arg10 : memref<!tpu.dma_semaphore, #tpu.memory_space<semaphore_mem>>)
      %dma_wait3A = arith.constant 0 : i32
      %dma_wait3A_14 = arith.constant 0 : i32
      %dma_wait3A_15 = tpu.memref_slice %arg2[%dma_wait3A, %dma_wait3A_14] : memref<10000x128xf32, #tpu.memory_space<hbm>> -> memref<10000x128xf32, #tpu.memory_space<hbm>>
      tpu.wait_indirect_dma semaphore(%arg10 : memref<!tpu.dma_semaphore, #tpu.memory_space<semaphore_mem>>) src(%dma_wait3A_15 : memref<10000x128xf32, #tpu.memory_space<hbm>>) dst(%arg9 : memref<1000x128xf32, #tpu.memory_space<vmem>>)
      "tpu.region"() ({
        %run_scoped3A = tpu.sem_alloc : memref<!tpu.dma_semaphore, #tpu.memory_space<semaphore_mem>>
        %dma_start3A_22 = arith.constant 0 : i32
        %dma_start3A_23 = tpu.memref_slice %arg5[%multiple_of3A, %dma_start3A_22] : memref<160000x128xf32, #tpu.memory_space<hbm>> -> memref<1000x128xf32, #tpu.memory_space<hbm>>
        %dma_start3A_24 = arith.constant 0 : i32
        %dma_start3A_25 = tpu.memref_slice %arg5[%multiple_of3A, %dma_start3A_24] : memref<160000x128xf32, #tpu.memory_space<hbm>> -> memref<1000x128xf32, #tpu.memory_space<hbm>>
        tpu.enqueue_dma source(%arg9 : memref<1000x128xf32, #tpu.memory_space<vmem>>) target(%dma_start3A_25 : memref<1000x128xf32, #tpu.memory_space<hbm>>) target_semaphore(%run_scoped3A : memref<!tpu.dma_semaphore, #tpu.memory_space<semaphore_mem>>)
        %dma_wait3A_26 = arith.constant 0 : i32
        %dma_wait3A_27 = tpu.memref_slice %arg5[%multiple_of3A, %dma_wait3A_26] : memref<160000x128xf32, #tpu.memory_space<hbm>> -> memref<1000x128xf32, #tpu.memory_space<hbm>>
        %dma_wait3A_28 = arith.constant 0 : i32
        %dma_wait3A_29 = tpu.memref_slice %arg5[%multiple_of3A, %dma_wait3A_28] : memref<160000x128xf32, #tpu.memory_space<hbm>> -> memref<1000x128xf32, #tpu.memory_space<hbm>>
        tpu.wait_dma2 semaphore(%run_scoped3A : memref<!tpu.dma_semaphore, #tpu.memory_space<semaphore_mem>>) src(%arg9 : memref<1000x128xf32, #tpu.memory_space<vmem>>) dst(%dma_wait3A_29 : memref<1000x128xf32, #tpu.memory_space<hbm>>)
        tpu.yield
      }) : () -> ()
      %dma_start3A_16 = arith.constant 0 : i32
      %dma_start3A_17 = arith.constant 0 : i32
      %dma_start3A_18 = tpu.memref_slice %arg2[%dma_start3A_16, %dma_start3A_17] : memref<10000x128xf32, #tpu.memory_space<hbm>> -> memref<10000x128xf32, #tpu.memory_space<hbm>>
      tpu.enqueue_indirect_dma source(%dma_start3A_18 : memref<10000x128xf32, #tpu.memory_space<hbm>>) target(%arg9 : memref<1000x128xf32, #tpu.memory_space<vmem>>) offsets(%arg8 : memref<1000xi32, #tpu.memory_space<vmem>>) semaphore(%arg10 : memref<!tpu.dma_semaphore, #tpu.memory_space<semaphore_mem>>)
      %dma_wait3A_19 = arith.constant 0 : i32
      %dma_wait3A_20 = arith.constant 0 : i32
      %dma_wait3A_21 = tpu.memref_slice %arg2[%dma_wait3A_19, %dma_wait3A_20] : memref<10000x128xf32, #tpu.memory_space<hbm>> -> memref<10000x128xf32, #tpu.memory_space<hbm>>
      tpu.wait_indirect_dma semaphore(%arg10 : memref<!tpu.dma_semaphore, #tpu.memory_space<semaphore_mem>>) src(%dma_wait3A_21 : memref<10000x128xf32, #tpu.memory_space<hbm>>) dst(%arg9 : memref<1000x128xf32, #tpu.memory_space<vmem>>)
      "tpu.region"() ({
        %run_scoped3A = tpu.sem_alloc : memref<!tpu.dma_semaphore, #tpu.memory_space<semaphore_mem>>
        %dma_start3A_22 = arith.constant 0 : i32
        %dma_start3A_23 = tpu.memref_slice %arg6[%multiple_of3A, %dma_start3A_22] : memref<160000x128xf32, #tpu.memory_space<hbm>> -> memref<1000x128xf32, #tpu.memory_space<hbm>>
        %dma_start3A_24 = arith.constant 0 : i32
        %dma_start3A_25 = tpu.memref_slice %arg6[%multiple_of3A, %dma_start3A_24] : memref<160000x128xf32, #tpu.memory_space<hbm>> -> memref<1000x128xf32, #tpu.memory_space<hbm>>
        tpu.enqueue_dma source(%arg9 : memref<1000x128xf32, #tpu.memory_space<vmem>>) target(%dma_start3A_25 : memref<1000x128xf32, #tpu.memory_space<hbm>>) target_semaphore(%run_scoped3A : memref<!tpu.dma_semaphore, #tpu.memory_space<semaphore_mem>>)
        %dma_wait3A_26 = arith.constant 0 : i32
        %dma_wait3A_27 = tpu.memref_slice %arg6[%multiple_of3A, %dma_wait3A_26] : memref<160000x128xf32, #tpu.memory_space<hbm>> -> memref<1000x128xf32, #tpu.memory_space<hbm>>
        %dma_wait3A_28 = arith.constant 0 : i32
        %dma_wait3A_29 = tpu.memref_slice %arg6[%multiple_of3A, %dma_wait3A_28] : memref<160000x128xf32, #tpu.memory_space<hbm>> -> memref<1000x128xf32, #tpu.memory_space<hbm>>
        tpu.wait_dma2 semaphore(%run_scoped3A : memref<!tpu.dma_semaphore, #tpu.memory_space<semaphore_mem>>) src(%arg9 : memref<1000x128xf32, #tpu.memory_space<vmem>>) dst(%dma_wait3A_29 : memref<1000x128xf32, #tpu.memory_space<hbm>>)
        tpu.yield
      }) : () -> ()
    }
    %scan3A_7 = arith.constant 5 : i32
    return
  }
}

#map = affine_map<(d0, d1) -> (0, 0)>
#map1 = affine_map<(d0, d1) -> (0)>
module attributes {stable_mosaic.version = 14 : i64} {
  func.func @_gather_x_body(%arg0: i32, %arg1: i32, %arg2: memref<10000x16xf32, #tpu.memory_space<hbm>>, %arg3: memref<320000xi32, #tpu.memory_space<hbm>>, %arg4: memref<320000x16xf32, #tpu.memory_space<hbm>>, %arg5: memref<2000xi32, #tpu.memory_space<vmem>>, %arg6: memref<2000x16xf32, #tpu.memory_space<vmem>>, %arg7: memref<!tpu.dma_semaphore, #tpu.memory_space<semaphore_mem>>) attributes {dimension_semantics = [#tpu.dimension_semantics<core_parallel>, #tpu.dimension_semantics<subcore_parallel>], iteration_bounds = array<i64: 2, 16>, scalar_prefetch = 0 : i64, scratch_operands = 3 : i64, tpu.core_type = #tpu.core_type<sc_vector_subcore>, window_params = [{transform_indices = #map}, {transform_indices = #map1}, {transform_indices = #map}]} {
    %mul3A = arith.constant 2 : i32
    %mul3A_0 = arith.muli %arg1, %mul3A : i32
    %add3A = arith.addi %mul3A_0, %arg0 : i32
    %mul3A_1 = arith.constant 10000 : i32
    %mul3A_2 = arith.muli %add3A, %mul3A_1 : i32
    %scan3A = arith.constant 0 : i32
    %scan3A_3 = arith.constant 0 : i32
    %scan3A_4 = arith.constant 5 : i32
    %scan3A_5 = arith.addi %scan3A_3, %scan3A_4 : i32
    %scan3A_6 = arith.constant 1 : i32
    scf.for %scan3A_8 = %scan3A_3 to %scan3A_5 step %scan3A_6  : i32 {
      %mul3A_9 = arith.constant 2000 : i32
      %mul3A_10 = arith.muli %scan3A_8, %mul3A_9 : i32
      %add3A_11 = arith.addi %mul3A_2, %mul3A_10 : i32
      %multiple_of3A = tpu.assume_multiple %add3A_11, 8 : i32
      "tpu.region"() ({
        %run_scoped3A = tpu.sem_alloc : memref<!tpu.dma_semaphore, #tpu.memory_space<semaphore_mem>>
        %dma_start3A_16 = tpu.memref_slice %arg3[%multiple_of3A] : memref<320000xi32, #tpu.memory_space<hbm>> -> memref<2000xi32, #tpu.memory_space<hbm>>
        %dma_start3A_17 = tpu.memref_slice %arg3[%multiple_of3A] : memref<320000xi32, #tpu.memory_space<hbm>> -> memref<2000xi32, #tpu.memory_space<hbm>>
        tpu.enqueue_dma source(%dma_start3A_17 : memref<2000xi32, #tpu.memory_space<hbm>>) target(%arg5 : memref<2000xi32, #tpu.memory_space<vmem>>) target_semaphore(%run_scoped3A : memref<!tpu.dma_semaphore, #tpu.memory_space<semaphore_mem>>)
        %dma_wait3A_18 = tpu.memref_slice %arg3[%multiple_of3A] : memref<320000xi32, #tpu.memory_space<hbm>> -> memref<2000xi32, #tpu.memory_space<hbm>>
        %dma_wait3A_19 = tpu.memref_slice %arg3[%multiple_of3A] : memref<320000xi32, #tpu.memory_space<hbm>> -> memref<2000xi32, #tpu.memory_space<hbm>>
        tpu.wait_dma2 semaphore(%run_scoped3A : memref<!tpu.dma_semaphore, #tpu.memory_space<semaphore_mem>>) src(%dma_wait3A_19 : memref<2000xi32, #tpu.memory_space<hbm>>) dst(%arg5 : memref<2000xi32, #tpu.memory_space<vmem>>)
        tpu.yield
      }) : () -> ()
      %dma_start3A = arith.constant 0 : i32
      %dma_start3A_12 = arith.constant 0 : i32
      %dma_start3A_13 = tpu.memref_slice %arg2[%dma_start3A, %dma_start3A_12] : memref<10000x16xf32, #tpu.memory_space<hbm>> -> memref<10000x16xf32, #tpu.memory_space<hbm>>
      tpu.enqueue_indirect_dma source(%dma_start3A_13 : memref<10000x16xf32, #tpu.memory_space<hbm>>) target(%arg6 : memref<2000x16xf32, #tpu.memory_space<vmem>>) offsets(%arg5 : memref<2000xi32, #tpu.memory_space<vmem>>) semaphore(%arg7 : memref<!tpu.dma_semaphore, #tpu.memory_space<semaphore_mem>>)
      %dma_wait3A = arith.constant 0 : i32
      %dma_wait3A_14 = arith.constant 0 : i32
      %dma_wait3A_15 = tpu.memref_slice %arg2[%dma_wait3A, %dma_wait3A_14] : memref<10000x16xf32, #tpu.memory_space<hbm>> -> memref<10000x16xf32, #tpu.memory_space<hbm>>
      tpu.wait_indirect_dma semaphore(%arg7 : memref<!tpu.dma_semaphore, #tpu.memory_space<semaphore_mem>>) src(%dma_wait3A_15 : memref<10000x16xf32, #tpu.memory_space<hbm>>) dst(%arg6 : memref<2000x16xf32, #tpu.memory_space<vmem>>)
      "tpu.region"() ({
        %run_scoped3A = tpu.sem_alloc : memref<!tpu.dma_semaphore, #tpu.memory_space<semaphore_mem>>
        %dma_start3A_16 = arith.constant 0 : i32
        %dma_start3A_17 = tpu.memref_slice %arg4[%multiple_of3A, %dma_start3A_16] : memref<320000x16xf32, #tpu.memory_space<hbm>> -> memref<2000x16xf32, #tpu.memory_space<hbm>>
        %dma_start3A_18 = arith.constant 0 : i32
        %dma_start3A_19 = tpu.memref_slice %arg4[%multiple_of3A, %dma_start3A_18] : memref<320000x16xf32, #tpu.memory_space<hbm>> -> memref<2000x16xf32, #tpu.memory_space<hbm>>
        tpu.enqueue_dma source(%arg6 : memref<2000x16xf32, #tpu.memory_space<vmem>>) target(%dma_start3A_19 : memref<2000x16xf32, #tpu.memory_space<hbm>>) target_semaphore(%run_scoped3A : memref<!tpu.dma_semaphore, #tpu.memory_space<semaphore_mem>>)
        %dma_wait3A_20 = arith.constant 0 : i32
        %dma_wait3A_21 = tpu.memref_slice %arg4[%multiple_of3A, %dma_wait3A_20] : memref<320000x16xf32, #tpu.memory_space<hbm>> -> memref<2000x16xf32, #tpu.memory_space<hbm>>
        %dma_wait3A_22 = arith.constant 0 : i32
        %dma_wait3A_23 = tpu.memref_slice %arg4[%multiple_of3A, %dma_wait3A_22] : memref<320000x16xf32, #tpu.memory_space<hbm>> -> memref<2000x16xf32, #tpu.memory_space<hbm>>
        tpu.wait_dma2 semaphore(%run_scoped3A : memref<!tpu.dma_semaphore, #tpu.memory_space<semaphore_mem>>) src(%arg6 : memref<2000x16xf32, #tpu.memory_space<vmem>>) dst(%dma_wait3A_23 : memref<2000x16xf32, #tpu.memory_space<hbm>>)
        tpu.yield
      }) : () -> ()
    }
    %scan3A_7 = arith.constant 5 : i32
    return
  }
}

#map = affine_map<(d0, d1) -> (0, 0)>
#map1 = affine_map<(d0, d1) -> (0)>
module attributes {stable_mosaic.version = 14 : i64} {
  func.func @_gather_n_body(%arg0: i32, %arg1: i32, %arg2: memref<10000x128xf32, #tpu.memory_space<hbm>>, %arg3: memref<160000xi32, #tpu.memory_space<hbm>>, %arg4: memref<160000xi32, #tpu.memory_space<hbm>>, %arg5: memref<160000x128xf32, #tpu.memory_space<hbm>>, %arg6: memref<160000x128xf32, #tpu.memory_space<hbm>>, %arg7: memref<1000xi32, #tpu.memory_space<vmem>>, %arg8: memref<1000xi32, #tpu.memory_space<vmem>>, %arg9: memref<1000x128xf32, #tpu.memory_space<vmem>>, %arg10: memref<!tpu.dma_semaphore, #tpu.memory_space<semaphore_mem>>) attributes {dimension_semantics = [#tpu.dimension_semantics<core_parallel>, #tpu.dimension_semantics<subcore_parallel>], iteration_bounds = array<i64: 2, 16>, scalar_prefetch = 0 : i64, scratch_operands = 4 : i64, tpu.core_type = #tpu.core_type<sc_vector_subcore>, window_params = [{transform_indices = #map}, {transform_indices = #map1}, {transform_indices = #map1}, {transform_indices = #map}, {transform_indices = #map}]} {
    %mul3A = arith.constant 2 : i32
    %mul3A_0 = arith.muli %arg1, %mul3A : i32
    %add3A = arith.addi %mul3A_0, %arg0 : i32
    %mul3A_1 = arith.constant 5000 : i32
    %mul3A_2 = arith.muli %add3A, %mul3A_1 : i32
    %scan3A = arith.constant 0 : i32
    %scan3A_3 = arith.constant 0 : i32
    %scan3A_4 = arith.constant 5 : i32
    %scan3A_5 = arith.addi %scan3A_3, %scan3A_4 : i32
    %scan3A_6 = arith.constant 1 : i32
    scf.for %scan3A_8 = %scan3A_3 to %scan3A_5 step %scan3A_6  : i32 {
      %mul3A_9 = arith.constant 1000 : i32
      %mul3A_10 = arith.muli %scan3A_8, %mul3A_9 : i32
      %add3A_11 = arith.addi %mul3A_2, %mul3A_10 : i32
      %multiple_of3A = tpu.assume_multiple %add3A_11, 8 : i32
      "tpu.region"() ({
        %run_scoped3A = tpu.sem_alloc : memref<!tpu.dma_semaphore, #tpu.memory_space<semaphore_mem>>
        %dma_start3A_22 = tpu.memref_slice %arg3[%multiple_of3A] : memref<160000xi32, #tpu.memory_space<hbm>> -> memref<1000xi32, #tpu.memory_space<hbm>>
        %dma_start3A_23 = tpu.memref_slice %arg3[%multiple_of3A] : memref<160000xi32, #tpu.memory_space<hbm>> -> memref<1000xi32, #tpu.memory_space<hbm>>
        tpu.enqueue_dma source(%dma_start3A_23 : memref<1000xi32, #tpu.memory_space<hbm>>) target(%arg7 : memref<1000xi32, #tpu.memory_space<vmem>>) target_semaphore(%run_scoped3A : memref<!tpu.dma_semaphore, #tpu.memory_space<semaphore_mem>>)
        %dma_wait3A_24 = tpu.memref_slice %arg3[%multiple_of3A] : memref<160000xi32, #tpu.memory_space<hbm>> -> memref<1000xi32, #tpu.memory_space<hbm>>
        %dma_wait3A_25 = tpu.memref_slice %arg3[%multiple_of3A] : memref<160000xi32, #tpu.memory_space<hbm>> -> memref<1000xi32, #tpu.memory_space<hbm>>
        tpu.wait_dma2 semaphore(%run_scoped3A : memref<!tpu.dma_semaphore, #tpu.memory_space<semaphore_mem>>) src(%dma_wait3A_25 : memref<1000xi32, #tpu.memory_space<hbm>>) dst(%arg7 : memref<1000xi32, #tpu.memory_space<vmem>>)
        tpu.yield
      }) : () -> ()
      "tpu.region"() ({
        %run_scoped3A = tpu.sem_alloc : memref<!tpu.dma_semaphore, #tpu.memory_space<semaphore_mem>>
        %dma_start3A_22 = tpu.memref_slice %arg4[%multiple_of3A] : memref<160000xi32, #tpu.memory_space<hbm>> -> memref<1000xi32, #tpu.memory_space<hbm>>
        %dma_start3A_23 = tpu.memref_slice %arg4[%multiple_of3A] : memref<160000xi32, #tpu.memory_space<hbm>> -> memref<1000xi32, #tpu.memory_space<hbm>>
        tpu.enqueue_dma source(%dma_start3A_23 : memref<1000xi32, #tpu.memory_space<hbm>>) target(%arg8 : memref<1000xi32, #tpu.memory_space<vmem>>) target_semaphore(%run_scoped3A : memref<!tpu.dma_semaphore, #tpu.memory_space<semaphore_mem>>)
        %dma_wait3A_24 = tpu.memref_slice %arg4[%multiple_of3A] : memref<160000xi32, #tpu.memory_space<hbm>> -> memref<1000xi32, #tpu.memory_space<hbm>>
        %dma_wait3A_25 = tpu.memref_slice %arg4[%multiple_of3A] : memref<160000xi32, #tpu.memory_space<hbm>> -> memref<1000xi32, #tpu.memory_space<hbm>>
        tpu.wait_dma2 semaphore(%run_scoped3A : memref<!tpu.dma_semaphore, #tpu.memory_space<semaphore_mem>>) src(%dma_wait3A_25 : memref<1000xi32, #tpu.memory_space<hbm>>) dst(%arg8 : memref<1000xi32, #tpu.memory_space<vmem>>)
        tpu.yield
      }) : () -> ()
      %dma_start3A = arith.constant 0 : i32
      %dma_start3A_12 = arith.constant 0 : i32
      %dma_start3A_13 = tpu.memref_slice %arg2[%dma_start3A, %dma_start3A_12] : memref<10000x128xf32, #tpu.memory_space<hbm>> -> memref<10000x128xf32, #tpu.memory_space<hbm>>
      tpu.enqueue_indirect_dma source(%dma_start3A_13 : memref<10000x128xf32, #tpu.memory_space<hbm>>) target(%arg9 : memref<1000x128xf32, #tpu.memory_space<vmem>>) offsets(%arg7 : memref<1000xi32, #tpu.memory_space<vmem>>) semaphore(%arg10 : memref<!tpu.dma_semaphore, #tpu.memory_space<semaphore_mem>>)
      %dma_wait3A = arith.constant 0 : i32
      %dma_wait3A_14 = arith.constant 0 : i32
      %dma_wait3A_15 = tpu.memref_slice %arg2[%dma_wait3A, %dma_wait3A_14] : memref<10000x128xf32, #tpu.memory_space<hbm>> -> memref<10000x128xf32, #tpu.memory_space<hbm>>
      tpu.wait_indirect_dma semaphore(%arg10 : memref<!tpu.dma_semaphore, #tpu.memory_space<semaphore_mem>>) src(%dma_wait3A_15 : memref<10000x128xf32, #tpu.memory_space<hbm>>) dst(%arg9 : memref<1000x128xf32, #tpu.memory_space<vmem>>)
      "tpu.region"() ({
        %run_scoped3A = tpu.sem_alloc : memref<!tpu.dma_semaphore, #tpu.memory_space<semaphore_mem>>
        %dma_start3A_22 = arith.constant 0 : i32
        %dma_start3A_23 = tpu.memref_slice %arg5[%multiple_of3A, %dma_start3A_22] : memref<160000x128xf32, #tpu.memory_space<hbm>> -> memref<1000x128xf32, #tpu.memory_space<hbm>>
        %dma_start3A_24 = arith.constant 0 : i32
        %dma_start3A_25 = tpu.memref_slice %arg5[%multiple_of3A, %dma_start3A_24] : memref<160000x128xf32, #tpu.memory_space<hbm>> -> memref<1000x128xf32, #tpu.memory_space<hbm>>
        tpu.enqueue_dma source(%arg9 : memref<1000x128xf32, #tpu.memory_space<vmem>>) target(%dma_start3A_25 : memref<1000x128xf32, #tpu.memory_space<hbm>>) target_semaphore(%run_scoped3A : memref<!tpu.dma_semaphore, #tpu.memory_space<semaphore_mem>>)
        %dma_wait3A_26 = arith.constant 0 : i32
        %dma_wait3A_27 = tpu.memref_slice %arg5[%multiple_of3A, %dma_wait3A_26] : memref<160000x128xf32, #tpu.memory_space<hbm>> -> memref<1000x128xf32, #tpu.memory_space<hbm>>
        %dma_wait3A_28 = arith.constant 0 : i32
        %dma_wait3A_29 = tpu.memref_slice %arg5[%multiple_of3A, %dma_wait3A_28] : memref<160000x128xf32, #tpu.memory_space<hbm>> -> memref<1000x128xf32, #tpu.memory_space<hbm>>
        tpu.wait_dma2 semaphore(%run_scoped3A : memref<!tpu.dma_semaphore, #tpu.memory_space<semaphore_mem>>) src(%arg9 : memref<1000x128xf32, #tpu.memory_space<vmem>>) dst(%dma_wait3A_29 : memref<1000x128xf32, #tpu.memory_space<hbm>>)
        tpu.yield
      }) : () -> ()
      %dma_start3A_16 = arith.constant 0 : i32
      %dma_start3A_17 = arith.constant 0 : i32
      %dma_start3A_18 = tpu.memref_slice %arg2[%dma_start3A_16, %dma_start3A_17] : memref<10000x128xf32, #tpu.memory_space<hbm>> -> memref<10000x128xf32, #tpu.memory_space<hbm>>
      tpu.enqueue_indirect_dma source(%dma_start3A_18 : memref<10000x128xf32, #tpu.memory_space<hbm>>) target(%arg9 : memref<1000x128xf32, #tpu.memory_space<vmem>>) offsets(%arg8 : memref<1000xi32, #tpu.memory_space<vmem>>) semaphore(%arg10 : memref<!tpu.dma_semaphore, #tpu.memory_space<semaphore_mem>>)
      %dma_wait3A_19 = arith.constant 0 : i32
      %dma_wait3A_20 = arith.constant 0 : i32
      %dma_wait3A_21 = tpu.memref_slice %arg2[%dma_wait3A_19, %dma_wait3A_20] : memref<10000x128xf32, #tpu.memory_space<hbm>> -> memref<10000x128xf32, #tpu.memory_space<hbm>>
      tpu.wait_indirect_dma semaphore(%arg10 : memref<!tpu.dma_semaphore, #tpu.memory_space<semaphore_mem>>) src(%dma_wait3A_21 : memref<10000x128xf32, #tpu.memory_space<hbm>>) dst(%arg9 : memref<1000x128xf32, #tpu.memory_space<vmem>>)
      "tpu.region"() ({
        %run_scoped3A = tpu.sem_alloc : memref<!tpu.dma_semaphore, #tpu.memory_space<semaphore_mem>>
        %dma_start3A_22 = arith.constant 0 : i32
        %dma_start3A_23 = tpu.memref_slice %arg6[%multiple_of3A, %dma_start3A_22] : memref<160000x128xf32, #tpu.memory_space<hbm>> -> memref<1000x128xf32, #tpu.memory_space<hbm>>
        %dma_start3A_24 = arith.constant 0 : i32
        %dma_start3A_25 = tpu.memref_slice %arg6[%multiple_of3A, %dma_start3A_24] : memref<160000x128xf32, #tpu.memory_space<hbm>> -> memref<1000x128xf32, #tpu.memory_space<hbm>>
        tpu.enqueue_dma source(%arg9 : memref<1000x128xf32, #tpu.memory_space<vmem>>) target(%dma_start3A_25 : memref<1000x128xf32, #tpu.memory_space<hbm>>) target_semaphore(%run_scoped3A : memref<!tpu.dma_semaphore, #tpu.memory_space<semaphore_mem>>)
        %dma_wait3A_26 = arith.constant 0 : i32
        %dma_wait3A_27 = tpu.memref_slice %arg6[%multiple_of3A, %dma_wait3A_26] : memref<160000x128xf32, #tpu.memory_space<hbm>> -> memref<1000x128xf32, #tpu.memory_space<hbm>>
        %dma_wait3A_28 = arith.constant 0 : i32
        %dma_wait3A_29 = tpu.memref_slice %arg6[%multiple_of3A, %dma_wait3A_28] : memref<160000x128xf32, #tpu.memory_space<hbm>> -> memref<1000x128xf32, #tpu.memory_space<hbm>>
        tpu.wait_dma2 semaphore(%run_scoped3A : memref<!tpu.dma_semaphore, #tpu.memory_space<semaphore_mem>>) src(%arg9 : memref<1000x128xf32, #tpu.memory_space<vmem>>) dst(%dma_wait3A_29 : memref<1000x128xf32, #tpu.memory_space<hbm>>)
        tpu.yield
      }) : () -> ()
    }
    %scan3A_7 = arith.constant 5 : i32
    return
  }
}

#map = affine_map<(d0, d1) -> (0, 0)>
#map1 = affine_map<(d0, d1) -> (0)>
#map2 = affine_map<(d0, d1) -> (0, 0, 0)>
module attributes {stable_mosaic.version = 14 : i64} {
  func.func @_scatter_msg_body(%arg0: i32, %arg1: i32, %arg2: memref<160000x32xf32, #tpu.memory_space<hbm>>, %arg3: memref<160000x32xf32, #tpu.memory_space<hbm>>, %arg4: memref<160000xi32, #tpu.memory_space<hbm>>, %arg5: memref<160000xi32, #tpu.memory_space<hbm>>, %arg6: memref<10000x32xf32, #tpu.memory_space<hbm>>, %arg7: memref<2x10000x32xf32, #tpu.memory_space<hbm>>, %arg8: memref<1000xi32, #tpu.memory_space<vmem>>, %arg9: memref<1000x32xf32, #tpu.memory_space<vmem>>, %arg10: memref<10000x32xf32, #tpu.memory_space<vmem_shared>>) attributes {dimension_semantics = [#tpu.dimension_semantics<core_parallel>, #tpu.dimension_semantics<subcore_parallel>], iteration_bounds = array<i64: 2, 16>, scalar_prefetch = 0 : i64, scratch_operands = 3 : i64, tpu.core_type = #tpu.core_type<sc_vector_subcore>, window_params = [{transform_indices = #map}, {transform_indices = #map}, {transform_indices = #map1}, {transform_indices = #map1}, {transform_indices = #map}, {transform_indices = #map2}]} {
    %eq3A = arith.constant 0 : i32
    %eq3A_0 = arith.cmpi eq, %arg1, %eq3A : i32
    %convert_element_type3A = arith.extui %eq3A_0 : i1 to i32
    %cond3A = arith.constant 0 : i32
    %cond3A_1 = arith.cmpi ne, %convert_element_type3A, %cond3A : i32
    scf.if %cond3A_1 {
      "tpu.region"() ({
        %run_scoped3A = tpu.sem_alloc : memref<!tpu.dma_semaphore, #tpu.memory_space<semaphore_mem>>
        tpu.enqueue_dma source(%arg6 : memref<10000x32xf32, #tpu.memory_space<hbm>>) target(%arg10 : memref<10000x32xf32, #tpu.memory_space<vmem_shared>>) target_semaphore(%run_scoped3A : memref<!tpu.dma_semaphore, #tpu.memory_space<semaphore_mem>>)
        tpu.wait_dma2 semaphore(%run_scoped3A : memref<!tpu.dma_semaphore, #tpu.memory_space<semaphore_mem>>) src(%arg6 : memref<10000x32xf32, #tpu.memory_space<hbm>>) dst(%arg10 : memref<10000x32xf32, #tpu.memory_space<vmem_shared>>)
        tpu.yield
      }) : () -> ()
    } else {
    }
    %barrier3A = arith.constant 0 : index
    tpu.barrier barrier_id(%barrier3A)
    %mul3A = arith.constant 2 : i32
    %mul3A_2 = arith.muli %arg1, %mul3A : i32
    %add3A = arith.addi %mul3A_2, %arg0 : i32
    %mul3A_3 = arith.constant 5000 : i32
    %mul3A_4 = arith.muli %add3A, %mul3A_3 : i32
    %scan3A = arith.constant 0 : i32
    %scan3A_5 = arith.constant 0 : i32
    %scan3A_6 = arith.constant 5 : i32
    %scan3A_7 = arith.addi %scan3A_5, %scan3A_6 : i32
    %scan3A_8 = arith.constant 1 : i32
    scf.for %scan3A_16 = %scan3A_5 to %scan3A_7 step %scan3A_8  : i32 {
      %mul3A_17 = arith.constant 1000 : i32
      %mul3A_18 = arith.muli %scan3A_16, %mul3A_17 : i32
      %add3A_19 = arith.addi %mul3A_4, %mul3A_18 : i32
      %multiple_of3A = tpu.assume_multiple %add3A_19, 8 : i32
      "tpu.region"() ({
        %run_scoped3A = tpu.sem_alloc : memref<!tpu.dma_semaphore, #tpu.memory_space<semaphore_mem>>
        %dma_start3A = tpu.memref_slice %arg4[%multiple_of3A] : memref<160000xi32, #tpu.memory_space<hbm>> -> memref<1000xi32, #tpu.memory_space<hbm>>
        %dma_start3A_20 = tpu.memref_slice %arg4[%multiple_of3A] : memref<160000xi32, #tpu.memory_space<hbm>> -> memref<1000xi32, #tpu.memory_space<hbm>>
        tpu.enqueue_dma source(%dma_start3A_20 : memref<1000xi32, #tpu.memory_space<hbm>>) target(%arg8 : memref<1000xi32, #tpu.memory_space<vmem>>) target_semaphore(%run_scoped3A : memref<!tpu.dma_semaphore, #tpu.memory_space<semaphore_mem>>)
        %dma_wait3A = tpu.memref_slice %arg4[%multiple_of3A] : memref<160000xi32, #tpu.memory_space<hbm>> -> memref<1000xi32, #tpu.memory_space<hbm>>
        %dma_wait3A_21 = tpu.memref_slice %arg4[%multiple_of3A] : memref<160000xi32, #tpu.memory_space<hbm>> -> memref<1000xi32, #tpu.memory_space<hbm>>
        tpu.wait_dma2 semaphore(%run_scoped3A : memref<!tpu.dma_semaphore, #tpu.memory_space<semaphore_mem>>) src(%dma_wait3A_21 : memref<1000xi32, #tpu.memory_space<hbm>>) dst(%arg8 : memref<1000xi32, #tpu.memory_space<vmem>>)
        tpu.yield
      }) : () -> ()
      "tpu.region"() ({
        %run_scoped3A = tpu.sem_alloc : memref<!tpu.dma_semaphore, #tpu.memory_space<semaphore_mem>>
        %dma_start3A = arith.constant 0 : i32
        %dma_start3A_20 = tpu.memref_slice %arg2[%multiple_of3A, %dma_start3A] : memref<160000x32xf32, #tpu.memory_space<hbm>> -> memref<1000x32xf32, #tpu.memory_space<hbm>>
        %dma_start3A_21 = arith.constant 0 : i32
        %dma_start3A_22 = tpu.memref_slice %arg2[%multiple_of3A, %dma_start3A_21] : memref<160000x32xf32, #tpu.memory_space<hbm>> -> memref<1000x32xf32, #tpu.memory_space<hbm>>
        tpu.enqueue_dma source(%dma_start3A_22 : memref<1000x32xf32, #tpu.memory_space<hbm>>) target(%arg9 : memref<1000x32xf32, #tpu.memory_space<vmem>>) target_semaphore(%run_scoped3A : memref<!tpu.dma_semaphore, #tpu.memory_space<semaphore_mem>>)
        %dma_wait3A = arith.constant 0 : i32
        %dma_wait3A_23 = tpu.memref_slice %arg2[%multiple_of3A, %dma_wait3A] : memref<160000x32xf32, #tpu.memory_space<hbm>> -> memref<1000x32xf32, #tpu.memory_space<hbm>>
        %dma_wait3A_24 = arith.constant 0 : i32
        %dma_wait3A_25 = tpu.memref_slice %arg2[%multiple_of3A, %dma_wait3A_24] : memref<160000x32xf32, #tpu.memory_space<hbm>> -> memref<1000x32xf32, #tpu.memory_space<hbm>>
        tpu.wait_dma2 semaphore(%run_scoped3A : memref<!tpu.dma_semaphore, #tpu.memory_space<semaphore_mem>>) src(%dma_wait3A_25 : memref<1000x32xf32, #tpu.memory_space<hbm>>) dst(%arg9 : memref<1000x32xf32, #tpu.memory_space<vmem>>)
        tpu.yield
      }) : () -> ()
      "tpu.region"() ({
        %run_scoped3A = tpu.sem_alloc : memref<!tpu.dma_semaphore, #tpu.memory_space<semaphore_mem>>
        %dma_start3A = arith.constant 0 : i32
        %dma_start3A_20 = arith.constant 0 : i32
        %dma_start3A_21 = tpu.memref_slice %arg10[%dma_start3A, %dma_start3A_20] : memref<10000x32xf32, #tpu.memory_space<vmem_shared>> -> memref<10000x32xf32, #tpu.memory_space<vmem_shared>>
        tpu.enqueue_indirect_dma source(%arg9 : memref<1000x32xf32, #tpu.memory_space<vmem>>) target(%dma_start3A_21 : memref<10000x32xf32, #tpu.memory_space<vmem_shared>>) offsets(%arg8 : memref<1000xi32, #tpu.memory_space<vmem>>) semaphore(%run_scoped3A : memref<!tpu.dma_semaphore, #tpu.memory_space<semaphore_mem>>) {add = true}
        %dma_wait3A = arith.constant 0 : i32
        %dma_wait3A_22 = arith.constant 0 : i32
        %dma_wait3A_23 = tpu.memref_slice %arg10[%dma_wait3A, %dma_wait3A_22] : memref<10000x32xf32, #tpu.memory_space<vmem_shared>> -> memref<10000x32xf32, #tpu.memory_space<vmem_shared>>
        tpu.wait_indirect_dma semaphore(%run_scoped3A : memref<!tpu.dma_semaphore, #tpu.memory_space<semaphore_mem>>) src(%arg9 : memref<1000x32xf32, #tpu.memory_space<vmem>>) dst(%dma_wait3A_23 : memref<10000x32xf32, #tpu.memory_space<vmem_shared>>)
        tpu.yield
      }) : () -> ()
      "tpu.region"() ({
        %run_scoped3A = tpu.sem_alloc : memref<!tpu.dma_semaphore, #tpu.memory_space<semaphore_mem>>
        %dma_start3A = tpu.memref_slice %arg5[%multiple_of3A] : memref<160000xi32, #tpu.memory_space<hbm>> -> memref<1000xi32, #tpu.memory_space<hbm>>
        %dma_start3A_20 = tpu.memref_slice %arg5[%multiple_of3A] : memref<160000xi32, #tpu.memory_space<hbm>> -> memref<1000xi32, #tpu.memory_space<hbm>>
        tpu.enqueue_dma source(%dma_start3A_20 : memref<1000xi32, #tpu.memory_space<hbm>>) target(%arg8 : memref<1000xi32, #tpu.memory_space<vmem>>) target_semaphore(%run_scoped3A : memref<!tpu.dma_semaphore, #tpu.memory_space<semaphore_mem>>)
        %dma_wait3A = tpu.memref_slice %arg5[%multiple_of3A] : memref<160000xi32, #tpu.memory_space<hbm>> -> memref<1000xi32, #tpu.memory_space<hbm>>
        %dma_wait3A_21 = tpu.memref_slice %arg5[%multiple_of3A] : memref<160000xi32, #tpu.memory_space<hbm>> -> memref<1000xi32, #tpu.memory_space<hbm>>
        tpu.wait_dma2 semaphore(%run_scoped3A : memref<!tpu.dma_semaphore, #tpu.memory_space<semaphore_mem>>) src(%dma_wait3A_21 : memref<1000xi32, #tpu.memory_space<hbm>>) dst(%arg8 : memref<1000xi32, #tpu.memory_space<vmem>>)
        tpu.yield
      }) : () -> ()
      "tpu.region"() ({
        %run_scoped3A = tpu.sem_alloc : memref<!tpu.dma_semaphore, #tpu.memory_space<semaphore_mem>>
        %dma_start3A = arith.constant 0 : i32
        %dma_start3A_20 = tpu.memref_slice %arg3[%multiple_of3A, %dma_start3A] : memref<160000x32xf32, #tpu.memory_space<hbm>> -> memref<1000x32xf32, #tpu.memory_space<hbm>>
        %dma_start3A_21 = arith.constant 0 : i32
        %dma_start3A_22 = tpu.memref_slice %arg3[%multiple_of3A, %dma_start3A_21] : memref<160000x32xf32, #tpu.memory_space<hbm>> -> memref<1000x32xf32, #tpu.memory_space<hbm>>
        tpu.enqueue_dma source(%dma_start3A_22 : memref<1000x32xf32, #tpu.memory_space<hbm>>) target(%arg9 : memref<1000x32xf32, #tpu.memory_space<vmem>>) target_semaphore(%run_scoped3A : memref<!tpu.dma_semaphore, #tpu.memory_space<semaphore_mem>>)
        %dma_wait3A = arith.constant 0 : i32
        %dma_wait3A_23 = tpu.memref_slice %arg3[%multiple_of3A, %dma_wait3A] : memref<160000x32xf32, #tpu.memory_space<hbm>> -> memref<1000x32xf32, #tpu.memory_space<hbm>>
        %dma_wait3A_24 = arith.constant 0 : i32
        %dma_wait3A_25 = tpu.memref_slice %arg3[%multiple_of3A, %dma_wait3A_24] : memref<160000x32xf32, #tpu.memory_space<hbm>> -> memref<1000x32xf32, #tpu.memory_space<hbm>>
        tpu.wait_dma2 semaphore(%run_scoped3A : memref<!tpu.dma_semaphore, #tpu.memory_space<semaphore_mem>>) src(%dma_wait3A_25 : memref<1000x32xf32, #tpu.memory_space<hbm>>) dst(%arg9 : memref<1000x32xf32, #tpu.memory_space<vmem>>)
        tpu.yield
      }) : () -> ()
      "tpu.region"() ({
        %run_scoped3A = tpu.sem_alloc : memref<!tpu.dma_semaphore, #tpu.memory_space<semaphore_mem>>
        %dma_start3A = arith.constant 0 : i32
        %dma_start3A_20 = arith.constant 0 : i32
        %dma_start3A_21 = tpu.memref_slice %arg10[%dma_start3A, %dma_start3A_20] : memref<10000x32xf32, #tpu.memory_space<vmem_shared>> -> memref<10000x32xf32, #tpu.memory_space<vmem_shared>>
        tpu.enqueue_indirect_dma source(%arg9 : memref<1000x32xf32, #tpu.memory_space<vmem>>) target(%dma_start3A_21 : memref<10000x32xf32, #tpu.memory_space<vmem_shared>>) offsets(%arg8 : memref<1000xi32, #tpu.memory_space<vmem>>) semaphore(%run_scoped3A : memref<!tpu.dma_semaphore, #tpu.memory_space<semaphore_mem>>) {add = true}
        %dma_wait3A = arith.constant 0 : i32
        %dma_wait3A_22 = arith.constant 0 : i32
        %dma_wait3A_23 = tpu.memref_slice %arg10[%dma_wait3A, %dma_wait3A_22] : memref<10000x32xf32, #tpu.memory_space<vmem_shared>> -> memref<10000x32xf32, #tpu.memory_space<vmem_shared>>
        tpu.wait_indirect_dma semaphore(%run_scoped3A : memref<!tpu.dma_semaphore, #tpu.memory_space<semaphore_mem>>) src(%arg9 : memref<1000x32xf32, #tpu.memory_space<vmem>>) dst(%dma_wait3A_23 : memref<10000x32xf32, #tpu.memory_space<vmem_shared>>)
        tpu.yield
      }) : () -> ()
    }
    %scan3A_9 = arith.constant 5 : i32
    %barrier3A_10 = arith.constant 0 : index
    tpu.barrier barrier_id(%barrier3A_10)
    %eq3A_11 = arith.constant 0 : i32
    %eq3A_12 = arith.cmpi eq, %arg1, %eq3A_11 : i32
    %convert_element_type3A_13 = arith.extui %eq3A_12 : i1 to i32
    %cond3A_14 = arith.constant 0 : i32
    %cond3A_15 = arith.cmpi ne, %convert_element_type3A_13, %cond3A_14 : i32
    scf.if %cond3A_15 {
      "tpu.region"() ({
        %run_scoped3A = tpu.sem_alloc : memref<!tpu.dma_semaphore, #tpu.memory_space<semaphore_mem>>
        %dma_start3A = arith.constant 0 : i32
        %dma_start3A_16 = arith.constant 0 : i32
        %dma_start3A_17 = tpu.memref_slice %arg7[%arg0, %dma_start3A, %dma_start3A_16] : memref<2x10000x32xf32, #tpu.memory_space<hbm>> -> memref<1x10000x32xf32, #tpu.memory_space<hbm>>
        %dma_start3A_18 = tpu.memref_squeeze %dma_start3A_17 : memref<1x10000x32xf32, #tpu.memory_space<hbm>> -> memref<10000x32xf32, #tpu.memory_space<hbm>>
        tpu.enqueue_dma source(%arg10 : memref<10000x32xf32, #tpu.memory_space<vmem_shared>>) target(%dma_start3A_18 : memref<10000x32xf32, #tpu.memory_space<hbm>>) target_semaphore(%run_scoped3A : memref<!tpu.dma_semaphore, #tpu.memory_space<semaphore_mem>>)
        %dma_wait3A = arith.constant 0 : i32
        %dma_wait3A_19 = arith.constant 0 : i32
        %dma_wait3A_20 = tpu.memref_slice %arg7[%arg0, %dma_wait3A, %dma_wait3A_19] : memref<2x10000x32xf32, #tpu.memory_space<hbm>> -> memref<1x10000x32xf32, #tpu.memory_space<hbm>>
        %dma_wait3A_21 = tpu.memref_squeeze %dma_wait3A_20 : memref<1x10000x32xf32, #tpu.memory_space<hbm>> -> memref<10000x32xf32, #tpu.memory_space<hbm>>
        tpu.wait_dma2 semaphore(%run_scoped3A : memref<!tpu.dma_semaphore, #tpu.memory_space<semaphore_mem>>) src(%arg10 : memref<10000x32xf32, #tpu.memory_space<vmem_shared>>) dst(%dma_wait3A_21 : memref<10000x32xf32, #tpu.memory_space<hbm>>)
        tpu.yield
      }) : () -> ()
    } else {
    }
    return
  }
}

module attributes {stable_mosaic.version = 14 : i64} {
  func.func @_stats_body(%arg0: i32, %arg1: memref<1600x128xf32, #tpu.memory_space<vmem>>, %arg2: memref<1x16xf32, #tpu.memory_space<vmem>>, %arg3: memref<1x16xf32, #tpu.memory_space<vmem>>) attributes {dimension_semantics = [#tpu.dimension_semantics<arbitrary>], iteration_bounds = array<i64: 25>, scalar_prefetch = 0 : i64, scratch_operands = 0 : i64, tpu.core_type = #tpu.core_type<tc>, window_params = [{transform_indices = @transform_0, window_bounds = array<i64: 1600, 128>}, {pipeline_mode = #tpu.pipeline_mode<synchronous>, transform_indices = @transform_1, window_bounds = array<i64: 1, 16>}, {pipeline_mode = #tpu.pipeline_mode<synchronous>, transform_indices = @transform_2, window_bounds = array<i64: 1, 16>}]} {
    %get3A = arith.constant 0 : index
    %get3A_0 = arith.constant 0 : index
    %get3A_1 = vector.load %arg1[%get3A, %get3A_0] : memref<1600x128xf32, #tpu.memory_space<vmem>>, vector<1600x128xf32>
    %reduce_sum3A = arith.constant dense<0.000000e+00> : vector<128xf32>
    %reduce_sum3A_2 = vector.multi_reduction <add>, %get3A_1, %reduce_sum3A [0] : vector<1600x128xf32> to vector<128xf32>
    %broadcast_in_dim3A = vector.shape_cast %reduce_sum3A_2 : vector<128xf32> to vector<1x128xf32>
    %slice3A = vector.extract_strided_slice %broadcast_in_dim3A {offsets = [0, 0], sizes = [1, 64], strides = [1, 1]} : vector<1x128xf32> to vector<1x64xf32>
    %slice3A_3 = vector.extract_strided_slice %broadcast_in_dim3A {offsets = [0, 64], sizes = [1, 64], strides = [1, 1]} : vector<1x128xf32> to vector<1x64xf32>
    %add3A = arith.addf %slice3A, %slice3A_3 : vector<1x64xf32>
    %slice3A_4 = vector.extract_strided_slice %add3A {offsets = [0, 0], sizes = [1, 32], strides = [1, 1]} : vector<1x64xf32> to vector<1x32xf32>
    %slice3A_5 = vector.extract_strided_slice %add3A {offsets = [0, 32], sizes = [1, 32], strides = [1, 1]} : vector<1x64xf32> to vector<1x32xf32>
    %add3A_6 = arith.addf %slice3A_4, %slice3A_5 : vector<1x32xf32>
    %slice3A_7 = vector.extract_strided_slice %add3A_6 {offsets = [0, 0], sizes = [1, 16], strides = [1, 1]} : vector<1x32xf32> to vector<1x16xf32>
    %slice3A_8 = vector.extract_strided_slice %add3A_6 {offsets = [0, 16], sizes = [1, 16], strides = [1, 1]} : vector<1x32xf32> to vector<1x16xf32>
    %add3A_9 = arith.addf %slice3A_7, %slice3A_8 : vector<1x16xf32>
    %mul3A = arith.mulf %get3A_1, %get3A_1 : vector<1600x128xf32>
    %reduce_sum3A_10 = arith.constant dense<0.000000e+00> : vector<128xf32>
    %reduce_sum3A_11 = vector.multi_reduction <add>, %mul3A, %reduce_sum3A_10 [0] : vector<1600x128xf32> to vector<128xf32>
    %broadcast_in_dim3A_12 = vector.shape_cast %reduce_sum3A_11 : vector<128xf32> to vector<1x128xf32>
    %slice3A_13 = vector.extract_strided_slice %broadcast_in_dim3A_12 {offsets = [0, 0], sizes = [1, 64], strides = [1, 1]} : vector<1x128xf32> to vector<1x64xf32>
    %slice3A_14 = vector.extract_strided_slice %broadcast_in_dim3A_12 {offsets = [0, 64], sizes = [1, 64], strides = [1, 1]} : vector<1x128xf32> to vector<1x64xf32>
    %add3A_15 = arith.addf %slice3A_13, %slice3A_14 : vector<1x64xf32>
    %slice3A_16 = vector.extract_strided_slice %add3A_15 {offsets = [0, 0], sizes = [1, 32], strides = [1, 1]} : vector<1x64xf32> to vector<1x32xf32>
    %slice3A_17 = vector.extract_strided_slice %add3A_15 {offsets = [0, 32], sizes = [1, 32], strides = [1, 1]} : vector<1x64xf32> to vector<1x32xf32>
    %add3A_18 = arith.addf %slice3A_16, %slice3A_17 : vector<1x32xf32>
    %slice3A_19 = vector.extract_strided_slice %add3A_18 {offsets = [0, 0], sizes = [1, 16], strides = [1, 1]} : vector<1x32xf32> to vector<1x16xf32>
    %slice3A_20 = vector.extract_strided_slice %add3A_18 {offsets = [0, 16], sizes = [1, 16], strides = [1, 1]} : vector<1x32xf32> to vector<1x16xf32>
    %add3A_21 = arith.addf %slice3A_19, %slice3A_20 : vector<1x16xf32>
    %eq3A = arith.constant 0 : i32
    %eq3A_22 = arith.cmpi eq, %arg0, %eq3A : i32
    %convert_element_type3A = arith.extui %eq3A_22 : i1 to i32
    %cond3A = arith.constant 0 : i32
    %cond3A_23 = arith.cmpi ne, %convert_element_type3A, %cond3A : i32
    scf.if %cond3A_23 {
      %swap3A = arith.constant 0 : index
      %swap3A_28 = arith.constant 0 : index
      %swap3A_29 = vector.load %arg2[%swap3A, %swap3A_28] : memref<1x16xf32, #tpu.memory_space<vmem>>, vector<1x16xf32>
      tpu.vector_store %arg2[%swap3A, %swap3A_28], %add3A_9 {strides = array<i32>} : memref<1x16xf32, #tpu.memory_space<vmem>>, vector<1x16xf32>,
      %swap3A_30 = arith.constant 0 : index
      %swap3A_31 = arith.constant 0 : index
      %swap3A_32 = vector.load %arg3[%swap3A_30, %swap3A_31] : memref<1x16xf32, #tpu.memory_space<vmem>>, vector<1x16xf32>
      tpu.vector_store %arg3[%swap3A_30, %swap3A_31], %add3A_21 {strides = array<i32>} : memref<1x16xf32, #tpu.memory_space<vmem>>, vector<1x16xf32>,
    } else {
    }
    %gt3A = arith.constant 0 : i32
    %gt3A_24 = arith.cmpi sgt, %arg0, %gt3A : i32
    %convert_element_type3A_25 = arith.extui %gt3A_24 : i1 to i32
    %cond3A_26 = arith.constant 0 : i32
    %cond3A_27 = arith.cmpi ne, %convert_element_type3A_25, %cond3A_26 : i32
    scf.if %cond3A_27 {
      %get3A_28 = arith.constant 0 : index
      %get3A_29 = arith.constant 0 : index
      %get3A_30 = vector.load %arg2[%get3A_28, %get3A_29] : memref<1x16xf32, #tpu.memory_space<vmem>>, vector<1x16xf32>
      %add3A_31 = arith.addf %get3A_30, %add3A_9 : vector<1x16xf32>
      %swap3A = arith.constant 0 : index
      %swap3A_32 = arith.constant 0 : index
      %swap3A_33 = vector.load %arg2[%swap3A, %swap3A_32] : memref<1x16xf32, #tpu.memory_space<vmem>>, vector<1x16xf32>
      tpu.vector_store %arg2[%swap3A, %swap3A_32], %add3A_31 {strides = array<i32>} : memref<1x16xf32, #tpu.memory_space<vmem>>, vector<1x16xf32>,
      %get3A_34 = arith.constant 0 : index
      %get3A_35 = arith.constant 0 : index
      %get3A_36 = vector.load %arg3[%get3A_34, %get3A_35] : memref<1x16xf32, #tpu.memory_space<vmem>>, vector<1x16xf32>
      %add3A_37 = arith.addf %get3A_36, %add3A_21 : vector<1x16xf32>
      %swap3A_38 = arith.constant 0 : index
      %swap3A_39 = arith.constant 0 : index
      %swap3A_40 = vector.load %arg3[%swap3A_38, %swap3A_39] : memref<1x16xf32, #tpu.memory_space<vmem>>, vector<1x16xf32>
      tpu.vector_store %arg3[%swap3A_38, %swap3A_39], %add3A_37 {strides = array<i32>} : memref<1x16xf32, #tpu.memory_space<vmem>>, vector<1x16xf32>,
    } else {
    }
    return
  }
  func.func @transform_0(%arg0: i32) -> (i32, i32) {
    %c0_i32 = arith.constant 0 : i32
    %c0_i32_0 = arith.constant 0 : i32
    return %arg0, %c0_i32 : i32, i32
  }
  func.func @transform_1(%arg0: i32) -> (i32, i32) {
    %c0_i32 = arith.constant 0 : i32
    %c0_i32_0 = arith.constant 0 : i32
    %c0_i32_1 = arith.constant 0 : i32
    return %c0_i32, %c0_i32_0 : i32, i32
  }
  func.func @transform_2(%arg0: i32) -> (i32, i32) {
    %c0_i32 = arith.constant 0 : i32
    %c0_i32_0 = arith.constant 0 : i32
    %c0_i32_1 = arith.constant 0 : i32
    return %c0_i32, %c0_i32_0 : i32, i32
  }
}

module attributes {stable_mosaic.version = 14 : i64} {
  func.func @_prep_body(%arg0: memref<10000x16xf32, #tpu.memory_space<vmem>>, %arg1: memref<1x16xf32, #tpu.memory_space<vmem>>, %arg2: memref<1x16xf32, #tpu.memory_space<vmem>>, %arg3: memref<1x16xf32, #tpu.memory_space<vmem>>, %arg4: memref<1x16xf32, #tpu.memory_space<vmem>>, %arg5: memref<1x16xf32, #tpu.memory_space<vmem>>, %arg6: memref<1x16xf32, #tpu.memory_space<vmem>>, %arg7: memref<16x32xf32, #tpu.memory_space<vmem>>, %arg8: memref<1x32xf32, #tpu.memory_space<vmem>>, %arg9: memref<10000x32xf32, #tpu.memory_space<vmem>>, %arg10: memref<1x16xf32, #tpu.memory_space<vmem>>, %arg11: memref<1x16xf32, #tpu.memory_space<vmem>>, %arg12: memref<1x16xf32, #tpu.memory_space<vmem>>, %arg13: memref<1x16xf32, #tpu.memory_space<vmem>>) attributes {dimension_semantics = [], scalar_prefetch = 0 : i64, scratch_operands = 0 : i64, tpu.core_type = #tpu.core_type<tc>} {
    %get3A = arith.constant 0 : index
    %get3A_0 = arith.constant 0 : index
    %get3A_1 = vector.load %arg0[%get3A, %get3A_0] : memref<10000x16xf32, #tpu.memory_space<vmem>>, vector<10000x16xf32>
    %reduce_sum3A = arith.constant dense<0.000000e+00> : vector<16xf32>
    %reduce_sum3A_2 = vector.multi_reduction <add>, %get3A_1, %reduce_sum3A [0] : vector<10000x16xf32> to vector<16xf32>
    %broadcast_in_dim3A = vector.shape_cast %reduce_sum3A_2 : vector<16xf32> to vector<1x16xf32>
    %div3A = arith.constant 1.000000e+04 : f32
    %div3A_3 = vector.broadcast %div3A : f32 to vector<1x16xf32>
    %div3A_4 = arith.divf %broadcast_in_dim3A, %div3A_3 : vector<1x16xf32>
    %mul3A = arith.mulf %get3A_1, %get3A_1 : vector<10000x16xf32>
    %reduce_sum3A_5 = arith.constant dense<0.000000e+00> : vector<16xf32>
    %reduce_sum3A_6 = vector.multi_reduction <add>, %mul3A, %reduce_sum3A_5 [0] : vector<10000x16xf32> to vector<16xf32>
    %broadcast_in_dim3A_7 = vector.shape_cast %reduce_sum3A_6 : vector<16xf32> to vector<1x16xf32>
    %div3A_8 = arith.constant 1.000000e+04 : f32
    %div3A_9 = vector.broadcast %div3A_8 : f32 to vector<1x16xf32>
    %div3A_10 = arith.divf %broadcast_in_dim3A_7, %div3A_9 : vector<1x16xf32>
    %mul3A_11 = arith.mulf %div3A_4, %div3A_4 : vector<1x16xf32>
    %sub3A = arith.subf %div3A_10, %mul3A_11 : vector<1x16xf32>
    %get3A_12 = arith.constant 0 : index
    %get3A_13 = arith.constant 0 : index
    %get3A_14 = vector.load %arg3[%get3A_12, %get3A_13] : memref<1x16xf32, #tpu.memory_space<vmem>>, vector<1x16xf32>
    %add3A = arith.constant 9.99999974E-6 : f32
    %add3A_15 = vector.broadcast %add3A : f32 to vector<1x16xf32>
    %add3A_16 = arith.addf %sub3A, %add3A_15 : vector<1x16xf32>
    %rsqrt3A = math.rsqrt %add3A_16 : vector<1x16xf32>
    %mul3A_17 = arith.mulf %get3A_14, %rsqrt3A : vector<1x16xf32>
    %get3A_18 = arith.constant 0 : index
    %get3A_19 = arith.constant 0 : index
    %get3A_20 = vector.load %arg4[%get3A_18, %get3A_19] : memref<1x16xf32, #tpu.memory_space<vmem>>, vector<1x16xf32>
    %mul3A_21 = arith.mulf %div3A_4, %mul3A_17 : vector<1x16xf32>
    %sub3A_22 = arith.subf %get3A_20, %mul3A_21 : vector<1x16xf32>
    %get3A_23 = arith.constant 0 : index
    %get3A_24 = arith.constant 0 : index
    %get3A_25 = vector.load %arg1[%get3A_23, %get3A_24] : memref<1x16xf32, #tpu.memory_space<vmem>>, vector<1x16xf32>
    %mul3A_26 = arith.constant 3.125000e-06 : f32
    %mul3A_27 = vector.broadcast %mul3A_26 : f32 to vector<1x16xf32>
    %mul3A_28 = arith.mulf %get3A_25, %mul3A_27 : vector<1x16xf32>
    %get3A_29 = arith.constant 0 : index
    %get3A_30 = arith.constant 0 : index
    %get3A_31 = vector.load %arg2[%get3A_29, %get3A_30] : memref<1x16xf32, #tpu.memory_space<vmem>>, vector<1x16xf32>
    %mul3A_32 = arith.constant 3.125000e-06 : f32
    %mul3A_33 = vector.broadcast %mul3A_32 : f32 to vector<1x16xf32>
    %mul3A_34 = arith.mulf %get3A_31, %mul3A_33 : vector<1x16xf32>
    %mul3A_35 = arith.mulf %mul3A_28, %mul3A_28 : vector<1x16xf32>
    %sub3A_36 = arith.subf %mul3A_34, %mul3A_35 : vector<1x16xf32>
    %get3A_37 = arith.constant 0 : index
    %get3A_38 = arith.constant 0 : index
    %get3A_39 = vector.load %arg5[%get3A_37, %get3A_38] : memref<1x16xf32, #tpu.memory_space<vmem>>, vector<1x16xf32>
    %add3A_40 = arith.constant 9.99999974E-6 : f32
    %add3A_41 = vector.broadcast %add3A_40 : f32 to vector<1x16xf32>
    %add3A_42 = arith.addf %sub3A_36, %add3A_41 : vector<1x16xf32>
    %rsqrt3A_43 = math.rsqrt %add3A_42 : vector<1x16xf32>
    %mul3A_44 = arith.mulf %get3A_39, %rsqrt3A_43 : vector<1x16xf32>
    %get3A_45 = arith.constant 0 : index
    %get3A_46 = arith.constant 0 : index
    %get3A_47 = vector.load %arg6[%get3A_45, %get3A_46] : memref<1x16xf32, #tpu.memory_space<vmem>>, vector<1x16xf32>
    %mul3A_48 = arith.mulf %mul3A_28, %mul3A_44 : vector<1x16xf32>
    %sub3A_49 = arith.subf %get3A_47, %mul3A_48 : vector<1x16xf32>
    %mul3A_50 = vector.broadcast %mul3A_17 : vector<1x16xf32> to vector<10000x16xf32>
    %mul3A_51 = arith.mulf %get3A_1, %mul3A_50 : vector<10000x16xf32>
    %add3A_52 = vector.broadcast %sub3A_22 : vector<1x16xf32> to vector<10000x16xf32>
    %add3A_53 = arith.addf %mul3A_51, %add3A_52 : vector<10000x16xf32>
    %get3A_54 = arith.constant 0 : index
    %get3A_55 = arith.constant 0 : index
    %get3A_56 = vector.load %arg7[%get3A_54, %get3A_55] : memref<16x32xf32, #tpu.memory_space<vmem>>, vector<16x32xf32>
    %dot_general3A = arith.constant dense<0.000000e+00> : vector<10000x32xf32>
    %dot_general3A_57 = tpu.matmul %add3A_53, %get3A_56, %dot_general3A {dimension_numbers = #tpu.dot_dimension_numbers<[1], [0], [0], [1], [0, 0, 1, 1], [], []>, transpose_lhs_hint = false} : vector<10000x16xf32>, vector<16x32xf32>, vector<10000x32xf32> -> vector<10000x32xf32>
    %get3A_58 = arith.constant 0 : index
    %get3A_59 = arith.constant 0 : index
    %get3A_60 = vector.load %arg8[%get3A_58, %get3A_59] : memref<1x32xf32, #tpu.memory_space<vmem>>, vector<1x32xf32>
    %add3A_61 = vector.broadcast %get3A_60 : vector<1x32xf32> to vector<10000x32xf32>
    %add3A_62 = arith.addf %dot_general3A_57, %add3A_61 : vector<10000x32xf32>
    %swap3A = arith.constant 0 : index
    %swap3A_63 = arith.constant 0 : index
    %swap3A_64 = vector.load %arg9[%swap3A, %swap3A_63] : memref<10000x32xf32, #tpu.memory_space<vmem>>, vector<10000x32xf32>
    tpu.vector_store %arg9[%swap3A, %swap3A_63], %add3A_62 {strides = array<i32>} : memref<10000x32xf32, #tpu.memory_space<vmem>>, vector<10000x32xf32>,
    %swap3A_65 = arith.constant 0 : index
    %swap3A_66 = arith.constant 0 : index
    %swap3A_67 = vector.load %arg10[%swap3A_65, %swap3A_66] : memref<1x16xf32, #tpu.memory_space<vmem>>, vector<1x16xf32>
    tpu.vector_store %arg10[%swap3A_65, %swap3A_66], %mul3A_17 {strides = array<i32>} : memref<1x16xf32, #tpu.memory_space<vmem>>, vector<1x16xf32>,
    %swap3A_68 = arith.constant 0 : index
    %swap3A_69 = arith.constant 0 : index
    %swap3A_70 = vector.load %arg11[%swap3A_68, %swap3A_69] : memref<1x16xf32, #tpu.memory_space<vmem>>, vector<1x16xf32>
    tpu.vector_store %arg11[%swap3A_68, %swap3A_69], %sub3A_22 {strides = array<i32>} : memref<1x16xf32, #tpu.memory_space<vmem>>, vector<1x16xf32>,
    %swap3A_71 = arith.constant 0 : index
    %swap3A_72 = arith.constant 0 : index
    %swap3A_73 = vector.load %arg12[%swap3A_71, %swap3A_72] : memref<1x16xf32, #tpu.memory_space<vmem>>, vector<1x16xf32>
    tpu.vector_store %arg12[%swap3A_71, %swap3A_72], %mul3A_44 {strides = array<i32>} : memref<1x16xf32, #tpu.memory_space<vmem>>, vector<1x16xf32>,
    %swap3A_74 = arith.constant 0 : index
    %swap3A_75 = arith.constant 0 : index
    %swap3A_76 = vector.load %arg13[%swap3A_74, %swap3A_75] : memref<1x16xf32, #tpu.memory_space<vmem>>, vector<1x16xf32>
    tpu.vector_store %arg13[%swap3A_74, %swap3A_75], %sub3A_49 {strides = array<i32>} : memref<1x16xf32, #tpu.memory_space<vmem>>, vector<1x16xf32>,
    return
  }
}

module attributes {stable_mosaic.version = 14 : i64} {
  func.func @_msg_body(%arg0: i32, %arg1: memref<800x128xf32, #tpu.memory_space<vmem>>, %arg2: memref<800x128xf32, #tpu.memory_space<vmem>>, %arg3: memref<128x128xbf16, #tpu.memory_space<vmem>>, %arg4: memref<1x128xf32, #tpu.memory_space<vmem>>, %arg5: memref<128x4096xbf16, #tpu.memory_space<vmem>>, %arg6: memref<1x4096xf32, #tpu.memory_space<vmem>>, %arg7: memref<128x4096xbf16, #tpu.memory_space<vmem>>, %arg8: memref<1x4096xf32, #tpu.memory_space<vmem>>, %arg9: memref<800x128xf32, #tpu.memory_space<vmem>>, %arg10: memref<800x128xf32, #tpu.memory_space<vmem>>) attributes {dimension_semantics = [#tpu.dimension_semantics<arbitrary>], iteration_bounds = array<i64: 50>, scalar_prefetch = 0 : i64, scratch_operands = 0 : i64, tpu.core_type = #tpu.core_type<tc>, window_params = [{transform_indices = @transform_0, window_bounds = array<i64: 800, 128>}, {transform_indices = @transform_1, window_bounds = array<i64: 800, 128>}, {pipeline_mode = #tpu.pipeline_mode<synchronous>, transform_indices = @transform_2, window_bounds = array<i64: 128, 128>}, {pipeline_mode = #tpu.pipeline_mode<synchronous>, transform_indices = @transform_3, window_bounds = array<i64: 1, 128>}, {pipeline_mode = #tpu.pipeline_mode<synchronous>, transform_indices = @transform_4, window_bounds = array<i64: 128, 4096>}, {pipeline_mode = #tpu.pipeline_mode<synchronous>, transform_indices = @transform_5, window_bounds = array<i64: 1, 4096>}, {pipeline_mode = #tpu.pipeline_mode<synchronous>, transform_indices = @transform_6, window_bounds = array<i64: 128, 4096>}, {pipeline_mode = #tpu.pipeline_mode<synchronous>, transform_indices = @transform_7, window_bounds = array<i64: 1, 4096>}, {transform_indices = @transform_8, window_bounds = array<i64: 800, 128>}, {transform_indices = @transform_9, window_bounds = array<i64: 800, 128>}]} {
    %get3A = arith.constant 0 : index
    %get3A_0 = arith.constant 0 : index
    %get3A_1 = vector.load %arg1[%get3A, %get3A_0] : memref<800x128xf32, #tpu.memory_space<vmem>>, vector<800x128xf32>
    %convert_element_type3A = arith.truncf %get3A_1 : vector<800x128xf32> to vector<800x128xbf16>
    %get3A_2 = arith.constant 0 : index
    %get3A_3 = arith.constant 0 : index
    %get3A_4 = vector.load %arg3[%get3A_2, %get3A_3] : memref<128x128xbf16, #tpu.memory_space<vmem>>, vector<128x128xbf16>
    %dot_general3A = arith.constant dense<0.000000e+00> : vector<800x128xf32>
    %dot_general3A_5 = tpu.matmul %convert_element_type3A, %get3A_4, %dot_general3A {dimension_numbers = #tpu.dot_dimension_numbers<[1], [0], [0], [1], [0, 0, 1, 1], [], []>, transpose_lhs_hint = false} : vector<800x128xbf16>, vector<128x128xbf16>, vector<800x128xf32> -> vector<800x128xf32>
    %get3A_6 = arith.constant 0 : index
    %get3A_7 = arith.constant 0 : index
    %get3A_8 = vector.load %arg4[%get3A_6, %get3A_7] : memref<1x128xf32, #tpu.memory_space<vmem>>, vector<1x128xf32>
    %add3A = vector.broadcast %get3A_8 : vector<1x128xf32> to vector<800x128xf32>
    %add3A_9 = arith.addf %dot_general3A_5, %add3A : vector<800x128xf32>
    %jit3A = arith.constant 1.000000e-01 : f32
    %ge3A = arith.constant 0.000000e+00 : f32
    %ge3A_10 = vector.broadcast %ge3A : f32 to vector<800x128xf32>
    %ge3A_11 = arith.cmpf oge, %add3A_9, %ge3A_10 : vector<800x128xf32>
    %mul3A = vector.broadcast %jit3A : f32 to vector<800x128xf32>
    %mul3A_12 = arith.mulf %mul3A, %add3A_9 : vector<800x128xf32>
    %select_n3A = arith.select %ge3A_11, %add3A_9, %mul3A_12 : vector<800x128xi1>, vector<800x128xf32>
    %convert_element_type3A_13 = arith.truncf %select_n3A : vector<800x128xf32> to vector<800x128xbf16>
    %get3A_14 = arith.constant 0 : index
    %get3A_15 = arith.constant 0 : index
    %get3A_16 = vector.load %arg5[%get3A_14, %get3A_15] : memref<128x4096xbf16, #tpu.memory_space<vmem>>, vector<128x4096xbf16>
    %dot_general3A_17 = arith.constant dense<0.000000e+00> : vector<800x4096xf32>
    %dot_general3A_18 = tpu.matmul %convert_element_type3A_13, %get3A_16, %dot_general3A_17 {dimension_numbers = #tpu.dot_dimension_numbers<[1], [0], [0], [1], [0, 0, 1, 1], [], []>, transpose_lhs_hint = false} : vector<800x128xbf16>, vector<128x4096xbf16>, vector<800x4096xf32> -> vector<800x4096xf32>
    %get3A_19 = arith.constant 0 : index
    %get3A_20 = arith.constant 0 : index
    %get3A_21 = vector.load %arg6[%get3A_19, %get3A_20] : memref<1x4096xf32, #tpu.memory_space<vmem>>, vector<1x4096xf32>
    %add3A_22 = vector.broadcast %get3A_21 : vector<1x4096xf32> to vector<800x4096xf32>
    %add3A_23 = arith.addf %dot_general3A_18, %add3A_22 : vector<800x4096xf32>
    %jit3A_24 = arith.constant 1.000000e-01 : f32
    %ge3A_25 = arith.constant 0.000000e+00 : f32
    %ge3A_26 = vector.broadcast %ge3A_25 : f32 to vector<800x4096xf32>
    %ge3A_27 = arith.cmpf oge, %add3A_23, %ge3A_26 : vector<800x4096xf32>
    %mul3A_28 = vector.broadcast %jit3A_24 : f32 to vector<800x4096xf32>
    %mul3A_29 = arith.mulf %mul3A_28, %add3A_23 : vector<800x4096xf32>
    %select_n3A_30 = arith.select %ge3A_27, %add3A_23, %mul3A_29 : vector<800x4096xi1>, vector<800x4096xf32>
    %get3A_31 = arith.constant 0 : index
    %get3A_32 = arith.constant 0 : index
    %get3A_33 = vector.load %arg2[%get3A_31, %get3A_32] : memref<800x128xf32, #tpu.memory_space<vmem>>, vector<800x128xf32>
    %convert_element_type3A_34 = arith.truncf %get3A_33 : vector<800x128xf32> to vector<800x128xbf16>
    %get3A_35 = arith.constant 0 : index
    %get3A_36 = arith.constant 0 : index
    %get3A_37 = vector.load %arg7[%get3A_35, %get3A_36] : memref<128x4096xbf16, #tpu.memory_space<vmem>>, vector<128x4096xbf16>
    %dot_general3A_38 = arith.constant dense<0.000000e+00> : vector<800x4096xf32>
    %dot_general3A_39 = tpu.matmul %convert_element_type3A_34, %get3A_37, %dot_general3A_38 {dimension_numbers = #tpu.dot_dimension_numbers<[1], [0], [0], [1], [0, 0, 1, 1], [], []>, transpose_lhs_hint = false} : vector<800x128xbf16>, vector<128x4096xbf16>, vector<800x4096xf32> -> vector<800x4096xf32>
    %get3A_40 = arith.constant 0 : index
    %get3A_41 = arith.constant 0 : index
    %get3A_42 = vector.load %arg8[%get3A_40, %get3A_41] : memref<1x4096xf32, #tpu.memory_space<vmem>>, vector<1x4096xf32>
    %add3A_43 = vector.broadcast %get3A_42 : vector<1x4096xf32> to vector<800x4096xf32>
    %add3A_44 = arith.addf %dot_general3A_39, %add3A_43 : vector<800x4096xf32>
    %mul3A_45 = arith.mulf %add3A_44, %select_n3A_30 : vector<800x4096xf32>
    %slice3A = vector.extract_strided_slice %mul3A_45 {offsets = [0, 0], sizes = [800, 256], strides = [1, 1]} : vector<800x4096xf32> to vector<800x256xf32>
    %slice3A_46 = vector.extract_strided_slice %mul3A_45 {offsets = [0, 256], sizes = [800, 256], strides = [1, 1]} : vector<800x4096xf32> to vector<800x256xf32>
    %add3A_47 = arith.addf %slice3A, %slice3A_46 : vector<800x256xf32>
    %slice3A_48 = vector.extract_strided_slice %add3A_47 {offsets = [0, 0], sizes = [800, 128], strides = [1, 1]} : vector<800x256xf32> to vector<800x128xf32>
    %slice3A_49 = vector.extract_strided_slice %add3A_47 {offsets = [0, 128], sizes = [800, 128], strides = [1, 1]} : vector<800x256xf32> to vector<800x128xf32>
    %add3A_50 = arith.addf %slice3A_48, %slice3A_49 : vector<800x128xf32>
    %slice3A_51 = vector.extract_strided_slice %add3A_50 {offsets = [0, 0], sizes = [800, 64], strides = [1, 1]} : vector<800x128xf32> to vector<800x64xf32>
    %slice3A_52 = vector.extract_strided_slice %add3A_50 {offsets = [0, 64], sizes = [800, 64], strides = [1, 1]} : vector<800x128xf32> to vector<800x64xf32>
    %add3A_53 = arith.addf %slice3A_51, %slice3A_52 : vector<800x64xf32>
    %slice3A_54 = vector.extract_strided_slice %add3A_53 {offsets = [0, 0], sizes = [800, 32], strides = [1, 1]} : vector<800x64xf32> to vector<800x32xf32>
    %slice3A_55 = vector.extract_strided_slice %add3A_53 {offsets = [0, 32], sizes = [800, 32], strides = [1, 1]} : vector<800x64xf32> to vector<800x32xf32>
    %add3A_56 = arith.addf %slice3A_54, %slice3A_55 : vector<800x32xf32>
    %slice3A_57 = vector.extract_strided_slice %mul3A_45 {offsets = [0, 512], sizes = [800, 256], strides = [1, 1]} : vector<800x4096xf32> to vector<800x256xf32>
    %slice3A_58 = vector.extract_strided_slice %mul3A_45 {offsets = [0, 768], sizes = [800, 256], strides = [1, 1]} : vector<800x4096xf32> to vector<800x256xf32>
    %add3A_59 = arith.addf %slice3A_57, %slice3A_58 : vector<800x256xf32>
    %slice3A_60 = vector.extract_strided_slice %add3A_59 {offsets = [0, 0], sizes = [800, 128], strides = [1, 1]} : vector<800x256xf32> to vector<800x128xf32>
    %slice3A_61 = vector.extract_strided_slice %add3A_59 {offsets = [0, 128], sizes = [800, 128], strides = [1, 1]} : vector<800x256xf32> to vector<800x128xf32>
    %add3A_62 = arith.addf %slice3A_60, %slice3A_61 : vector<800x128xf32>
    %slice3A_63 = vector.extract_strided_slice %add3A_62 {offsets = [0, 0], sizes = [800, 64], strides = [1, 1]} : vector<800x128xf32> to vector<800x64xf32>
    %slice3A_64 = vector.extract_strided_slice %add3A_62 {offsets = [0, 64], sizes = [800, 64], strides = [1, 1]} : vector<800x128xf32> to vector<800x64xf32>
    %add3A_65 = arith.addf %slice3A_63, %slice3A_64 : vector<800x64xf32>
    %slice3A_66 = vector.extract_strided_slice %add3A_65 {offsets = [0, 0], sizes = [800, 32], strides = [1, 1]} : vector<800x64xf32> to vector<800x32xf32>
    %slice3A_67 = vector.extract_strided_slice %add3A_65 {offsets = [0, 32], sizes = [800, 32], strides = [1, 1]} : vector<800x64xf32> to vector<800x32xf32>
    %add3A_68 = arith.addf %slice3A_66, %slice3A_67 : vector<800x32xf32>
    %slice3A_69 = vector.extract_strided_slice %mul3A_45 {offsets = [0, 1024], sizes = [800, 256], strides = [1, 1]} : vector<800x4096xf32> to vector<800x256xf32>
    %slice3A_70 = vector.extract_strided_slice %mul3A_45 {offsets = [0, 1280], sizes = [800, 256], strides = [1, 1]} : vector<800x4096xf32> to vector<800x256xf32>
    %add3A_71 = arith.addf %slice3A_69, %slice3A_70 : vector<800x256xf32>
    %slice3A_72 = vector.extract_strided_slice %add3A_71 {offsets = [0, 0], sizes = [800, 128], strides = [1, 1]} : vector<800x256xf32> to vector<800x128xf32>
    %slice3A_73 = vector.extract_strided_slice %add3A_71 {offsets = [0, 128], sizes = [800, 128], strides = [1, 1]} : vector<800x256xf32> to vector<800x128xf32>
    %add3A_74 = arith.addf %slice3A_72, %slice3A_73 : vector<800x128xf32>
    %slice3A_75 = vector.extract_strided_slice %add3A_74 {offsets = [0, 0], sizes = [800, 64], strides = [1, 1]} : vector<800x128xf32> to vector<800x64xf32>
    %slice3A_76 = vector.extract_strided_slice %add3A_74 {offsets = [0, 64], sizes = [800, 64], strides = [1, 1]} : vector<800x128xf32> to vector<800x64xf32>
    %add3A_77 = arith.addf %slice3A_75, %slice3A_76 : vector<800x64xf32>
    %slice3A_78 = vector.extract_strided_slice %add3A_77 {offsets = [0, 0], sizes = [800, 32], strides = [1, 1]} : vector<800x64xf32> to vector<800x32xf32>
    %slice3A_79 = vector.extract_strided_slice %add3A_77 {offsets = [0, 32], sizes = [800, 32], strides = [1, 1]} : vector<800x64xf32> to vector<800x32xf32>
    %add3A_80 = arith.addf %slice3A_78, %slice3A_79 : vector<800x32xf32>
    %slice3A_81 = vector.extract_strided_slice %mul3A_45 {offsets = [0, 1536], sizes = [800, 256], strides = [1, 1]} : vector<800x4096xf32> to vector<800x256xf32>
    %slice3A_82 = vector.extract_strided_slice %mul3A_45 {offsets = [0, 1792], sizes = [800, 256], strides = [1, 1]} : vector<800x4096xf32> to vector<800x256xf32>
    %add3A_83 = arith.addf %slice3A_81, %slice3A_82 : vector<800x256xf32>
    %slice3A_84 = vector.extract_strided_slice %add3A_83 {offsets = [0, 0], sizes = [800, 128], strides = [1, 1]} : vector<800x256xf32> to vector<800x128xf32>
    %slice3A_85 = vector.extract_strided_slice %add3A_83 {offsets = [0, 128], sizes = [800, 128], strides = [1, 1]} : vector<800x256xf32> to vector<800x128xf32>
    %add3A_86 = arith.addf %slice3A_84, %slice3A_85 : vector<800x128xf32>
    %slice3A_87 = vector.extract_strided_slice %add3A_86 {offsets = [0, 0], sizes = [800, 64], strides = [1, 1]} : vector<800x128xf32> to vector<800x64xf32>
    %slice3A_88 = vector.extract_strided_slice %add3A_86 {offsets = [0, 64], sizes = [800, 64], strides = [1, 1]} : vector<800x128xf32> to vector<800x64xf32>
    %add3A_89 = arith.addf %slice3A_87, %slice3A_88 : vector<800x64xf32>
    %slice3A_90 = vector.extract_strided_slice %add3A_89 {offsets = [0, 0], sizes = [800, 32], strides = [1, 1]} : vector<800x64xf32> to vector<800x32xf32>
    %slice3A_91 = vector.extract_strided_slice %add3A_89 {offsets = [0, 32], sizes = [800, 32], strides = [1, 1]} : vector<800x64xf32> to vector<800x32xf32>
    %add3A_92 = arith.addf %slice3A_90, %slice3A_91 : vector<800x32xf32>
    %slice3A_93 = vector.extract_strided_slice %mul3A_45 {offsets = [0, 2048], sizes = [800, 256], strides = [1, 1]} : vector<800x4096xf32> to vector<800x256xf32>
    %slice3A_94 = vector.extract_strided_slice %mul3A_45 {offsets = [0, 2304], sizes = [800, 256], strides = [1, 1]} : vector<800x4096xf32> to vector<800x256xf32>
    %add3A_95 = arith.addf %slice3A_93, %slice3A_94 : vector<800x256xf32>
    %slice3A_96 = vector.extract_strided_slice %add3A_95 {offsets = [0, 0], sizes = [800, 128], strides = [1, 1]} : vector<800x256xf32> to vector<800x128xf32>
    %slice3A_97 = vector.extract_strided_slice %add3A_95 {offsets = [0, 128], sizes = [800, 128], strides = [1, 1]} : vector<800x256xf32> to vector<800x128xf32>
    %add3A_98 = arith.addf %slice3A_96, %slice3A_97 : vector<800x128xf32>
    %slice3A_99 = vector.extract_strided_slice %add3A_98 {offsets = [0, 0], sizes = [800, 64], strides = [1, 1]} : vector<800x128xf32> to vector<800x64xf32>
    %slice3A_100 = vector.extract_strided_slice %add3A_98 {offsets = [0, 64], sizes = [800, 64], strides = [1, 1]} : vector<800x128xf32> to vector<800x64xf32>
    %add3A_101 = arith.addf %slice3A_99, %slice3A_100 : vector<800x64xf32>
    %slice3A_102 = vector.extract_strided_slice %add3A_101 {offsets = [0, 0], sizes = [800, 32], strides = [1, 1]} : vector<800x64xf32> to vector<800x32xf32>
    %slice3A_103 = vector.extract_strided_slice %add3A_101 {offsets = [0, 32], sizes = [800, 32], strides = [1, 1]} : vector<800x64xf32> to vector<800x32xf32>
    %add3A_104 = arith.addf %slice3A_102, %slice3A_103 : vector<800x32xf32>
    %slice3A_105 = vector.extract_strided_slice %mul3A_45 {offsets = [0, 2560], sizes = [800, 256], strides = [1, 1]} : vector<800x4096xf32> to vector<800x256xf32>
    %slice3A_106 = vector.extract_strided_slice %mul3A_45 {offsets = [0, 2816], sizes = [800, 256], strides = [1, 1]} : vector<800x4096xf32> to vector<800x256xf32>
    %add3A_107 = arith.addf %slice3A_105, %slice3A_106 : vector<800x256xf32>
    %slice3A_108 = vector.extract_strided_slice %add3A_107 {offsets = [0, 0], sizes = [800, 128], strides = [1, 1]} : vector<800x256xf32> to vector<800x128xf32>
    %slice3A_109 = vector.extract_strided_slice %add3A_107 {offsets = [0, 128], sizes = [800, 128], strides = [1, 1]} : vector<800x256xf32> to vector<800x128xf32>
    %add3A_110 = arith.addf %slice3A_108, %slice3A_109 : vector<800x128xf32>
    %slice3A_111 = vector.extract_strided_slice %add3A_110 {offsets = [0, 0], sizes = [800, 64], strides = [1, 1]} : vector<800x128xf32> to vector<800x64xf32>
    %slice3A_112 = vector.extract_strided_slice %add3A_110 {offsets = [0, 64], sizes = [800, 64], strides = [1, 1]} : vector<800x128xf32> to vector<800x64xf32>
    %add3A_113 = arith.addf %slice3A_111, %slice3A_112 : vector<800x64xf32>
    %slice3A_114 = vector.extract_strided_slice %add3A_113 {offsets = [0, 0], sizes = [800, 32], strides = [1, 1]} : vector<800x64xf32> to vector<800x32xf32>
    %slice3A_115 = vector.extract_strided_slice %add3A_113 {offsets = [0, 32], sizes = [800, 32], strides = [1, 1]} : vector<800x64xf32> to vector<800x32xf32>
    %add3A_116 = arith.addf %slice3A_114, %slice3A_115 : vector<800x32xf32>
    %slice3A_117 = vector.extract_strided_slice %mul3A_45 {offsets = [0, 3072], sizes = [800, 256], strides = [1, 1]} : vector<800x4096xf32> to vector<800x256xf32>
    %slice3A_118 = vector.extract_strided_slice %mul3A_45 {offsets = [0, 3328], sizes = [800, 256], strides = [1, 1]} : vector<800x4096xf32> to vector<800x256xf32>
    %add3A_119 = arith.addf %slice3A_117, %slice3A_118 : vector<800x256xf32>
    %slice3A_120 = vector.extract_strided_slice %add3A_119 {offsets = [0, 0], sizes = [800, 128], strides = [1, 1]} : vector<800x256xf32> to vector<800x128xf32>
    %slice3A_121 = vector.extract_strided_slice %add3A_119 {offsets = [0, 128], sizes = [800, 128], strides = [1, 1]} : vector<800x256xf32> to vector<800x128xf32>
    %add3A_122 = arith.addf %slice3A_120, %slice3A_121 : vector<800x128xf32>
    %slice3A_123 = vector.extract_strided_slice %add3A_122 {offsets = [0, 0], sizes = [800, 64], strides = [1, 1]} : vector<800x128xf32> to vector<800x64xf32>
    %slice3A_124 = vector.extract_strided_slice %add3A_122 {offsets = [0, 64], sizes = [800, 64], strides = [1, 1]} : vector<800x128xf32> to vector<800x64xf32>
    %add3A_125 = arith.addf %slice3A_123, %slice3A_124 : vector<800x64xf32>
    %slice3A_126 = vector.extract_strided_slice %add3A_125 {offsets = [0, 0], sizes = [800, 32], strides = [1, 1]} : vector<800x64xf32> to vector<800x32xf32>
    %slice3A_127 = vector.extract_strided_slice %add3A_125 {offsets = [0, 32], sizes = [800, 32], strides = [1, 1]} : vector<800x64xf32> to vector<800x32xf32>
    %add3A_128 = arith.addf %slice3A_126, %slice3A_127 : vector<800x32xf32>
    %slice3A_129 = vector.extract_strided_slice %mul3A_45 {offsets = [0, 3584], sizes = [800, 256], strides = [1, 1]} : vector<800x4096xf32> to vector<800x256xf32>
    %slice3A_130 = vector.extract_strided_slice %mul3A_45 {offsets = [0, 3840], sizes = [800, 256], strides = [1, 1]} : vector<800x4096xf32> to vector<800x256xf32>
    %add3A_131 = arith.addf %slice3A_129, %slice3A_130 : vector<800x256xf32>
    %slice3A_132 = vector.extract_strided_slice %add3A_131 {offsets = [0, 0], sizes = [800, 128], strides = [1, 1]} : vector<800x256xf32> to vector<800x128xf32>
    %slice3A_133 = vector.extract_strided_slice %add3A_131 {offsets = [0, 128], sizes = [800, 128], strides = [1, 1]} : vector<800x256xf32> to vector<800x128xf32>
    %add3A_134 = arith.addf %slice3A_132, %slice3A_133 : vector<800x128xf32>
    %slice3A_135 = vector.extract_strided_slice %add3A_134 {offsets = [0, 0], sizes = [800, 64], strides = [1, 1]} : vector<800x128xf32> to vector<800x64xf32>
    %slice3A_136 = vector.extract_strided_slice %add3A_134 {offsets = [0, 64], sizes = [800, 64], strides = [1, 1]} : vector<800x128xf32> to vector<800x64xf32>
    %add3A_137 = arith.addf %slice3A_135, %slice3A_136 : vector<800x64xf32>
    %slice3A_138 = vector.extract_strided_slice %add3A_137 {offsets = [0, 0], sizes = [800, 32], strides = [1, 1]} : vector<800x64xf32> to vector<800x32xf32>
    %slice3A_139 = vector.extract_strided_slice %add3A_137 {offsets = [0, 32], sizes = [800, 32], strides = [1, 1]} : vector<800x64xf32> to vector<800x32xf32>
    %add3A_140 = arith.addf %slice3A_138, %slice3A_139 : vector<800x32xf32>
    %concatenate3A = tpu.concatenate %add3A_56, %add3A_68, %add3A_80, %add3A_92 in 1 : vector<800x32xf32>, vector<800x32xf32>, vector<800x32xf32>, vector<800x32xf32> -> vector<800x128xf32>
    %swap3A = arith.constant 0 : index
    %swap3A_141 = arith.constant 0 : index
    %swap3A_142 = vector.load %arg9[%swap3A, %swap3A_141] : memref<800x128xf32, #tpu.memory_space<vmem>>, vector<800x128xf32>
    tpu.vector_store %arg9[%swap3A, %swap3A_141], %concatenate3A {strides = array<i32>} : memref<800x128xf32, #tpu.memory_space<vmem>>, vector<800x128xf32>,
    %concatenate3A_143 = tpu.concatenate %add3A_104, %add3A_116, %add3A_128, %add3A_140 in 1 : vector<800x32xf32>, vector<800x32xf32>, vector<800x32xf32>, vector<800x32xf32> -> vector<800x128xf32>
    %swap3A_144 = arith.constant 0 : index
    %swap3A_145 = arith.constant 0 : index
    %swap3A_146 = vector.load %arg10[%swap3A_144, %swap3A_145] : memref<800x128xf32, #tpu.memory_space<vmem>>, vector<800x128xf32>
    tpu.vector_store %arg10[%swap3A_144, %swap3A_145], %concatenate3A_143 {strides = array<i32>} : memref<800x128xf32, #tpu.memory_space<vmem>>, vector<800x128xf32>,
    return
  }
  func.func @transform_0(%arg0: i32) -> (i32, i32) {
    %c0_i32 = arith.constant 0 : i32
    %c0_i32_0 = arith.constant 0 : i32
    return %arg0, %c0_i32 : i32, i32
  }
  func.func @transform_1(%arg0: i32) -> (i32, i32) {
    %c0_i32 = arith.constant 0 : i32
    %c0_i32_0 = arith.constant 0 : i32
    return %arg0, %c0_i32 : i32, i32
  }
  func.func @transform_2(%arg0: i32) -> (i32, i32) {
    %c0_i32 = arith.constant 0 : i32
    %c0_i32_0 = arith.constant 0 : i32
    %c0_i32_1 = arith.constant 0 : i32
    return %c0_i32, %c0_i32_0 : i32, i32
  }
  func.func @transform_3(%arg0: i32) -> (i32, i32) {
    %c0_i32 = arith.constant 0 : i32
    %c0_i32_0 = arith.constant 0 : i32
    %c0_i32_1 = arith.constant 0 : i32
    return %c0_i32, %c0_i32_0 : i32, i32
  }
  func.func @transform_4(%arg0: i32) -> (i32, i32) {
    %c0_i32 = arith.constant 0 : i32
    %c0_i32_0 = arith.constant 0 : i32
    %c0_i32_1 = arith.constant 0 : i32
    return %c0_i32, %c0_i32_0 : i32, i32
  }
  func.func @transform_5(%arg0: i32) -> (i32, i32) {
    %c0_i32 = arith.constant 0 : i32
    %c0_i32_0 = arith.constant 0 : i32
    %c0_i32_1 = arith.constant 0 : i32
    return %c0_i32, %c0_i32_0 : i32, i32
  }
  func.func @transform_6(%arg0: i32) -> (i32, i32) {
    %c0_i32 = arith.constant 0 : i32
    %c0_i32_0 = arith.constant 0 : i32
    %c0_i32_1 = arith.constant 0 : i32
    return %c0_i32, %c0_i32_0 : i32, i32
  }
  func.func @transform_7(%arg0: i32) -> (i32, i32) {
    %c0_i32 = arith.constant 0 : i32
    %c0_i32_0 = arith.constant 0 : i32
    %c0_i32_1 = arith.constant 0 : i32
    return %c0_i32, %c0_i32_0 : i32, i32
  }
  func.func @transform_8(%arg0: i32) -> (i32, i32) {
    %c0_i32 = arith.constant 0 : i32
    %c0_i32_0 = arith.constant 0 : i32
    return %arg0, %c0_i32 : i32, i32
  }
  func.func @transform_9(%arg0: i32) -> (i32, i32) {
    %c0_i32 = arith.constant 0 : i32
    %c0_i32_0 = arith.constant 0 : i32
    return %arg0, %c0_i32 : i32, i32
  }
}

module attributes {stable_mosaic.version = 14 : i64} {
  func.func @_combine_body(%arg0: memref<10000x32xf32, #tpu.memory_space<vmem>>, %arg1: memref<10000x32xf32, #tpu.memory_space<vmem>>, %arg2: memref<10000x32xf32, #tpu.memory_space<vmem>>, %arg3: memref<32x64xf32, #tpu.memory_space<vmem>>, %arg4: memref<32x64xf32, #tpu.memory_space<vmem>>, %arg5: memref<10000x128xf32, #tpu.memory_space<vmem>>) attributes {dimension_semantics = [], scalar_prefetch = 0 : i64, scratch_operands = 0 : i64, tpu.core_type = #tpu.core_type<tc>} {
    %get3A = arith.constant 0 : index
    %get3A_0 = arith.constant 0 : index
    %get3A_1 = vector.load %arg0[%get3A, %get3A_0] : memref<10000x32xf32, #tpu.memory_space<vmem>>, vector<10000x32xf32>
    %get3A_2 = arith.constant 0 : index
    %get3A_3 = arith.constant 0 : index
    %get3A_4 = vector.load %arg1[%get3A_2, %get3A_3] : memref<10000x32xf32, #tpu.memory_space<vmem>>, vector<10000x32xf32>
    %add3A = arith.addf %get3A_1, %get3A_4 : vector<10000x32xf32>
    %get3A_5 = arith.constant 0 : index
    %get3A_6 = arith.constant 0 : index
    %get3A_7 = vector.load %arg2[%get3A_5, %get3A_6] : memref<10000x32xf32, #tpu.memory_space<vmem>>, vector<10000x32xf32>
    %add3A_8 = arith.addf %add3A, %get3A_7 : vector<10000x32xf32>
    %get3A_9 = arith.constant 0 : index
    %get3A_10 = arith.constant 0 : index
    %get3A_11 = vector.load %arg3[%get3A_9, %get3A_10] : memref<32x64xf32, #tpu.memory_space<vmem>>, vector<32x64xf32>
    %dot_general3A = arith.constant dense<0.000000e+00> : vector<10000x64xf32>
    %dot_general3A_12 = tpu.matmul %add3A_8, %get3A_11, %dot_general3A {dimension_numbers = #tpu.dot_dimension_numbers<[1], [0], [0], [1], [0, 0, 1, 1], [], []>, transpose_lhs_hint = false} : vector<10000x32xf32>, vector<32x64xf32>, vector<10000x64xf32> -> vector<10000x64xf32>
    %get3A_13 = arith.constant 0 : index
    %get3A_14 = arith.constant 0 : index
    %get3A_15 = vector.load %arg4[%get3A_13, %get3A_14] : memref<32x64xf32, #tpu.memory_space<vmem>>, vector<32x64xf32>
    %dot_general3A_16 = arith.constant dense<0.000000e+00> : vector<10000x64xf32>
    %dot_general3A_17 = tpu.matmul %add3A_8, %get3A_15, %dot_general3A_16 {dimension_numbers = #tpu.dot_dimension_numbers<[1], [0], [0], [1], [0, 0, 1, 1], [], []>, transpose_lhs_hint = false} : vector<10000x32xf32>, vector<32x64xf32>, vector<10000x64xf32> -> vector<10000x64xf32>
    %concatenate3A = tpu.concatenate %dot_general3A_12, %dot_general3A_17 in 1 : vector<10000x64xf32>, vector<10000x64xf32> -> vector<10000x128xf32>
    %swap3A = arith.constant 0 : index
    %swap3A_18 = arith.constant 0 : index
    %swap3A_19 = vector.load %arg5[%swap3A, %swap3A_18] : memref<10000x128xf32, #tpu.memory_space<vmem>>, vector<10000x128xf32>
    tpu.vector_store %arg5[%swap3A, %swap3A_18], %concatenate3A {strides = array<i32>} : memref<10000x128xf32, #tpu.memory_space<vmem>>, vector<10000x128xf32>,
    return
  }
}

module attributes {stable_mosaic.version = 14 : i64} {
  func.func @_mlp_body(%arg0: i32, %arg1: memref<6400x16xf32, #tpu.memory_space<vmem>>, %arg2: memref<6400x128xf32, #tpu.memory_space<vmem>>, %arg3: memref<6400x128xf32, #tpu.memory_space<vmem>>, %arg4: memref<1x16xf32, #tpu.memory_space<vmem>>, %arg5: memref<1x16xf32, #tpu.memory_space<vmem>>, %arg6: memref<16x64xf32, #tpu.memory_space<vmem>>, %arg7: memref<1x64xf32, #tpu.memory_space<vmem>>, %arg8: memref<64x32xf32, #tpu.memory_space<vmem>>, %arg9: memref<1x32xf32, #tpu.memory_space<vmem>>, %arg10: memref<32x16xf32, #tpu.memory_space<vmem>>, %arg11: memref<1x16xf32, #tpu.memory_space<vmem>>, %arg12: memref<16x8xf32, #tpu.memory_space<vmem>>, %arg13: memref<1x8xf32, #tpu.memory_space<vmem>>, %arg14: memref<8x2xf32, #tpu.memory_space<vmem>>, %arg15: memref<1x2xf32, #tpu.memory_space<vmem>>, %arg16: memref<6400x2xf32, #tpu.memory_space<vmem>>) attributes {dimension_semantics = [#tpu.dimension_semantics<arbitrary>], iteration_bounds = array<i64: 25>, scalar_prefetch = 0 : i64, scratch_operands = 0 : i64, tpu.core_type = #tpu.core_type<tc>, window_params = [{transform_indices = @transform_0, window_bounds = array<i64: 6400, 16>}, {transform_indices = @transform_1, window_bounds = array<i64: 6400, 128>}, {transform_indices = @transform_2, window_bounds = array<i64: 6400, 128>}, {pipeline_mode = #tpu.pipeline_mode<synchronous>, transform_indices = @transform_3, window_bounds = array<i64: 1, 16>}, {pipeline_mode = #tpu.pipeline_mode<synchronous>, transform_indices = @transform_4, window_bounds = array<i64: 1, 16>}, {pipeline_mode = #tpu.pipeline_mode<synchronous>, transform_indices = @transform_5, window_bounds = array<i64: 16, 64>}, {pipeline_mode = #tpu.pipeline_mode<synchronous>, transform_indices = @transform_6, window_bounds = array<i64: 1, 64>}, {pipeline_mode = #tpu.pipeline_mode<synchronous>, transform_indices = @transform_7, window_bounds = array<i64: 64, 32>}, {pipeline_mode = #tpu.pipeline_mode<synchronous>, transform_indices = @transform_8, window_bounds = array<i64: 1, 32>}, {pipeline_mode = #tpu.pipeline_mode<synchronous>, transform_indices = @transform_9, window_bounds = array<i64: 32, 16>}, {pipeline_mode = #tpu.pipeline_mode<synchronous>, transform_indices = @transform_10, window_bounds = array<i64: 1, 16>}, {pipeline_mode = #tpu.pipeline_mode<synchronous>, transform_indices = @transform_11, window_bounds = array<i64: 16, 8>}, {pipeline_mode = #tpu.pipeline_mode<synchronous>, transform_indices = @transform_12, window_bounds = array<i64: 1, 8>}, {pipeline_mode = #tpu.pipeline_mode<synchronous>, transform_indices = @transform_13, window_bounds = array<i64: 8, 2>}, {pipeline_mode = #tpu.pipeline_mode<synchronous>, transform_indices = @transform_14, window_bounds = array<i64: 1, 2>}, {transform_indices = @transform_15, window_bounds = array<i64: 6400, 2>}]} {
    %get3A = arith.constant 0 : index
    %get3A_0 = arith.constant 0 : index
    %get3A_1 = vector.load %arg1[%get3A, %get3A_0] : memref<6400x16xf32, #tpu.memory_space<vmem>>, vector<6400x16xf32>
    %get3A_2 = arith.constant 0 : index
    %get3A_3 = arith.constant 0 : index
    %get3A_4 = vector.load %arg4[%get3A_2, %get3A_3] : memref<1x16xf32, #tpu.memory_space<vmem>>, vector<1x16xf32>
    %mul3A = vector.broadcast %get3A_4 : vector<1x16xf32> to vector<6400x16xf32>
    %mul3A_5 = arith.mulf %get3A_1, %mul3A : vector<6400x16xf32>
    %get3A_6 = arith.constant 0 : index
    %get3A_7 = arith.constant 0 : index
    %get3A_8 = vector.load %arg5[%get3A_6, %get3A_7] : memref<1x16xf32, #tpu.memory_space<vmem>>, vector<1x16xf32>
    %add3A = vector.broadcast %get3A_8 : vector<1x16xf32> to vector<6400x16xf32>
    %add3A_9 = arith.addf %mul3A_5, %add3A : vector<6400x16xf32>
    %get3A_10 = arith.constant 0 : index
    %get3A_11 = arith.constant 0 : index
    %get3A_12 = vector.load %arg2[%get3A_10, %get3A_11] : memref<6400x128xf32, #tpu.memory_space<vmem>>, vector<6400x64xf32>
    %get3A_13 = arith.constant 0 : index
    %get3A_14 = arith.constant 64 : index
    %get3A_15 = vector.load %arg3[%get3A_13, %get3A_14] : memref<6400x128xf32, #tpu.memory_space<vmem>>, vector<6400x64xf32>
    %add3A_16 = arith.addf %get3A_12, %get3A_15 : vector<6400x64xf32>
    %get3A_17 = arith.constant 0 : index
    %get3A_18 = arith.constant 0 : index
    %get3A_19 = vector.load %arg6[%get3A_17, %get3A_18] : memref<16x64xf32, #tpu.memory_space<vmem>>, vector<16x64xf32>
    %dot_general3A = arith.constant dense<0.000000e+00> : vector<6400x64xf32>
    %dot_general3A_20 = tpu.matmul %add3A_9, %get3A_19, %dot_general3A {dimension_numbers = #tpu.dot_dimension_numbers<[1], [0], [0], [1], [0, 0, 1, 1], [], []>, transpose_lhs_hint = false} : vector<6400x16xf32>, vector<16x64xf32>, vector<6400x64xf32> -> vector<6400x64xf32>
    %add3A_21 = arith.addf %add3A_16, %dot_general3A_20 : vector<6400x64xf32>
    %get3A_22 = arith.constant 0 : index
    %get3A_23 = arith.constant 0 : index
    %get3A_24 = vector.load %arg7[%get3A_22, %get3A_23] : memref<1x64xf32, #tpu.memory_space<vmem>>, vector<1x64xf32>
    %add3A_25 = vector.broadcast %get3A_24 : vector<1x64xf32> to vector<6400x64xf32>
    %add3A_26 = arith.addf %add3A_21, %add3A_25 : vector<6400x64xf32>
    %jit3A = arith.constant 1.000000e-01 : f32
    %ge3A = arith.constant 0.000000e+00 : f32
    %ge3A_27 = vector.broadcast %ge3A : f32 to vector<6400x64xf32>
    %ge3A_28 = arith.cmpf oge, %add3A_26, %ge3A_27 : vector<6400x64xf32>
    %mul3A_29 = vector.broadcast %jit3A : f32 to vector<6400x64xf32>
    %mul3A_30 = arith.mulf %mul3A_29, %add3A_26 : vector<6400x64xf32>
    %select_n3A = arith.select %ge3A_28, %add3A_26, %mul3A_30 : vector<6400x64xi1>, vector<6400x64xf32>
    %get3A_31 = arith.constant 0 : index
    %get3A_32 = arith.constant 0 : index
    %get3A_33 = vector.load %arg8[%get3A_31, %get3A_32] : memref<64x32xf32, #tpu.memory_space<vmem>>, vector<64x32xf32>
    %dot_general3A_34 = arith.constant dense<0.000000e+00> : vector<6400x32xf32>
    %dot_general3A_35 = tpu.matmul %select_n3A, %get3A_33, %dot_general3A_34 {dimension_numbers = #tpu.dot_dimension_numbers<[1], [0], [0], [1], [0, 0, 1, 1], [], []>, transpose_lhs_hint = false} : vector<6400x64xf32>, vector<64x32xf32>, vector<6400x32xf32> -> vector<6400x32xf32>
    %get3A_36 = arith.constant 0 : index
    %get3A_37 = arith.constant 0 : index
    %get3A_38 = vector.load %arg9[%get3A_36, %get3A_37] : memref<1x32xf32, #tpu.memory_space<vmem>>, vector<1x32xf32>
    %add3A_39 = vector.broadcast %get3A_38 : vector<1x32xf32> to vector<6400x32xf32>
    %add3A_40 = arith.addf %dot_general3A_35, %add3A_39 : vector<6400x32xf32>
    %jit3A_41 = arith.constant 1.000000e-01 : f32
    %ge3A_42 = arith.constant 0.000000e+00 : f32
    %ge3A_43 = vector.broadcast %ge3A_42 : f32 to vector<6400x32xf32>
    %ge3A_44 = arith.cmpf oge, %add3A_40, %ge3A_43 : vector<6400x32xf32>
    %mul3A_45 = vector.broadcast %jit3A_41 : f32 to vector<6400x32xf32>
    %mul3A_46 = arith.mulf %mul3A_45, %add3A_40 : vector<6400x32xf32>
    %select_n3A_47 = arith.select %ge3A_44, %add3A_40, %mul3A_46 : vector<6400x32xi1>, vector<6400x32xf32>
    %get3A_48 = arith.constant 0 : index
    %get3A_49 = arith.constant 0 : index
    %get3A_50 = vector.load %arg10[%get3A_48, %get3A_49] : memref<32x16xf32, #tpu.memory_space<vmem>>, vector<32x16xf32>
    %dot_general3A_51 = arith.constant dense<0.000000e+00> : vector<6400x16xf32>
    %dot_general3A_52 = tpu.matmul %select_n3A_47, %get3A_50, %dot_general3A_51 {dimension_numbers = #tpu.dot_dimension_numbers<[1], [0], [0], [1], [0, 0, 1, 1], [], []>, transpose_lhs_hint = false} : vector<6400x32xf32>, vector<32x16xf32>, vector<6400x16xf32> -> vector<6400x16xf32>
    %get3A_53 = arith.constant 0 : index
    %get3A_54 = arith.constant 0 : index
    %get3A_55 = vector.load %arg11[%get3A_53, %get3A_54] : memref<1x16xf32, #tpu.memory_space<vmem>>, vector<1x16xf32>
    %add3A_56 = vector.broadcast %get3A_55 : vector<1x16xf32> to vector<6400x16xf32>
    %add3A_57 = arith.addf %dot_general3A_52, %add3A_56 : vector<6400x16xf32>
    %jit3A_58 = arith.constant 1.000000e-01 : f32
    %ge3A_59 = arith.constant 0.000000e+00 : f32
    %ge3A_60 = vector.broadcast %ge3A_59 : f32 to vector<6400x16xf32>
    %ge3A_61 = arith.cmpf oge, %add3A_57, %ge3A_60 : vector<6400x16xf32>
    %mul3A_62 = vector.broadcast %jit3A_58 : f32 to vector<6400x16xf32>
    %mul3A_63 = arith.mulf %mul3A_62, %add3A_57 : vector<6400x16xf32>
    %select_n3A_64 = arith.select %ge3A_61, %add3A_57, %mul3A_63 : vector<6400x16xi1>, vector<6400x16xf32>
    %get3A_65 = arith.constant 0 : index
    %get3A_66 = arith.constant 0 : index
    %get3A_67 = vector.load %arg12[%get3A_65, %get3A_66] : memref<16x8xf32, #tpu.memory_space<vmem>>, vector<16x8xf32>
    %dot_general3A_68 = arith.constant dense<0.000000e+00> : vector<6400x8xf32>
    %dot_general3A_69 = tpu.matmul %select_n3A_64, %get3A_67, %dot_general3A_68 {dimension_numbers = #tpu.dot_dimension_numbers<[1], [0], [0], [1], [0, 0, 1, 1], [], []>, transpose_lhs_hint = false} : vector<6400x16xf32>, vector<16x8xf32>, vector<6400x8xf32> -> vector<6400x8xf32>
    %get3A_70 = arith.constant 0 : index
    %get3A_71 = arith.constant 0 : index
    %get3A_72 = vector.load %arg13[%get3A_70, %get3A_71] : memref<1x8xf32, #tpu.memory_space<vmem>>, vector<1x8xf32>
    %add3A_73 = vector.broadcast %get3A_72 : vector<1x8xf32> to vector<6400x8xf32>
    %add3A_74 = arith.addf %dot_general3A_69, %add3A_73 : vector<6400x8xf32>
    %jit3A_75 = arith.constant 1.000000e-01 : f32
    %ge3A_76 = arith.constant 0.000000e+00 : f32
    %ge3A_77 = vector.broadcast %ge3A_76 : f32 to vector<6400x8xf32>
    %ge3A_78 = arith.cmpf oge, %add3A_74, %ge3A_77 : vector<6400x8xf32>
    %mul3A_79 = vector.broadcast %jit3A_75 : f32 to vector<6400x8xf32>
    %mul3A_80 = arith.mulf %mul3A_79, %add3A_74 : vector<6400x8xf32>
    %select_n3A_81 = arith.select %ge3A_78, %add3A_74, %mul3A_80 : vector<6400x8xi1>, vector<6400x8xf32>
    %get3A_82 = arith.constant 0 : index
    %get3A_83 = arith.constant 0 : index
    %get3A_84 = vector.load %arg14[%get3A_82, %get3A_83] : memref<8x2xf32, #tpu.memory_space<vmem>>, vector<8x2xf32>
    %dot_general3A_85 = arith.constant dense<0.000000e+00> : vector<6400x2xf32>
    %dot_general3A_86 = tpu.matmul %select_n3A_81, %get3A_84, %dot_general3A_85 {dimension_numbers = #tpu.dot_dimension_numbers<[1], [0], [0], [1], [0, 0, 1, 1], [], []>, transpose_lhs_hint = false} : vector<6400x8xf32>, vector<8x2xf32>, vector<6400x2xf32> -> vector<6400x2xf32>
    %get3A_87 = arith.constant 0 : index
    %get3A_88 = arith.constant 0 : index
    %get3A_89 = vector.load %arg15[%get3A_87, %get3A_88] : memref<1x2xf32, #tpu.memory_space<vmem>>, vector<1x2xf32>
    %add3A_90 = vector.broadcast %get3A_89 : vector<1x2xf32> to vector<6400x2xf32>
    %add3A_91 = arith.addf %dot_general3A_86, %add3A_90 : vector<6400x2xf32>
    %swap3A = arith.constant 0 : index
    %swap3A_92 = arith.constant 0 : index
    %swap3A_93 = vector.load %arg16[%swap3A, %swap3A_92] : memref<6400x2xf32, #tpu.memory_space<vmem>>, vector<6400x2xf32>
    tpu.vector_store %arg16[%swap3A, %swap3A_92], %add3A_91 {strides = array<i32>} : memref<6400x2xf32, #tpu.memory_space<vmem>>, vector<6400x2xf32>,
    return
  }
  func.func @transform_0(%arg0: i32) -> (i32, i32) {
    %add3A = arith.constant 25 : i32
    %add3A_0 = arith.addi %arg0, %add3A : i32
    %c0_i32 = arith.constant 0 : i32
    %c0_i32_1 = arith.constant 0 : i32
    return %add3A_0, %c0_i32 : i32, i32
  }
  func.func @transform_1(%arg0: i32) -> (i32, i32) {
    %c0_i32 = arith.constant 0 : i32
    %c0_i32_0 = arith.constant 0 : i32
    return %arg0, %c0_i32 : i32, i32
  }
  func.func @transform_2(%arg0: i32) -> (i32, i32) {
    %c0_i32 = arith.constant 0 : i32
    %c0_i32_0 = arith.constant 0 : i32
    return %arg0, %c0_i32 : i32, i32
  }
  func.func @transform_3(%arg0: i32) -> (i32, i32) {
    %c0_i32 = arith.constant 0 : i32
    %c0_i32_0 = arith.constant 0 : i32
    %c0_i32_1 = arith.constant 0 : i32
    return %c0_i32, %c0_i32_0 : i32, i32
  }
  func.func @transform_4(%arg0: i32) -> (i32, i32) {
    %c0_i32 = arith.constant 0 : i32
    %c0_i32_0 = arith.constant 0 : i32
    %c0_i32_1 = arith.constant 0 : i32
    return %c0_i32, %c0_i32_0 : i32, i32
  }
  func.func @transform_5(%arg0: i32) -> (i32, i32) {
    %c0_i32 = arith.constant 0 : i32
    %c0_i32_0 = arith.constant 0 : i32
    %c0_i32_1 = arith.constant 0 : i32
    return %c0_i32, %c0_i32_0 : i32, i32
  }
  func.func @transform_6(%arg0: i32) -> (i32, i32) {
    %c0_i32 = arith.constant 0 : i32
    %c0_i32_0 = arith.constant 0 : i32
    %c0_i32_1 = arith.constant 0 : i32
    return %c0_i32, %c0_i32_0 : i32, i32
  }
  func.func @transform_7(%arg0: i32) -> (i32, i32) {
    %c0_i32 = arith.constant 0 : i32
    %c0_i32_0 = arith.constant 0 : i32
    %c0_i32_1 = arith.constant 0 : i32
    return %c0_i32, %c0_i32_0 : i32, i32
  }
  func.func @transform_8(%arg0: i32) -> (i32, i32) {
    %c0_i32 = arith.constant 0 : i32
    %c0_i32_0 = arith.constant 0 : i32
    %c0_i32_1 = arith.constant 0 : i32
    return %c0_i32, %c0_i32_0 : i32, i32
  }
  func.func @transform_9(%arg0: i32) -> (i32, i32) {
    %c0_i32 = arith.constant 0 : i32
    %c0_i32_0 = arith.constant 0 : i32
    %c0_i32_1 = arith.constant 0 : i32
    return %c0_i32, %c0_i32_0 : i32, i32
  }
  func.func @transform_10(%arg0: i32) -> (i32, i32) {
    %c0_i32 = arith.constant 0 : i32
    %c0_i32_0 = arith.constant 0 : i32
    %c0_i32_1 = arith.constant 0 : i32
    return %c0_i32, %c0_i32_0 : i32, i32
  }
  func.func @transform_11(%arg0: i32) -> (i32, i32) {
    %c0_i32 = arith.constant 0 : i32
    %c0_i32_0 = arith.constant 0 : i32
    %c0_i32_1 = arith.constant 0 : i32
    return %c0_i32, %c0_i32_0 : i32, i32
  }
  func.func @transform_12(%arg0: i32) -> (i32, i32) {
    %c0_i32 = arith.constant 0 : i32
    %c0_i32_0 = arith.constant 0 : i32
    %c0_i32_1 = arith.constant 0 : i32
    return %c0_i32, %c0_i32_0 : i32, i32
  }
  func.func @transform_13(%arg0: i32) -> (i32, i32) {
    %c0_i32 = arith.constant 0 : i32
    %c0_i32_0 = arith.constant 0 : i32
    %c0_i32_1 = arith.constant 0 : i32
    return %c0_i32, %c0_i32_0 : i32, i32
  }
  func.func @transform_14(%arg0: i32) -> (i32, i32) {
    %c0_i32 = arith.constant 0 : i32
    %c0_i32_0 = arith.constant 0 : i32
    %c0_i32_1 = arith.constant 0 : i32
    return %c0_i32, %c0_i32_0 : i32, i32
  }
  func.func @transform_15(%arg0: i32) -> (i32, i32) {
    %c0_i32 = arith.constant 0 : i32
    %c0_i32_0 = arith.constant 0 : i32
    return %arg0, %c0_i32 : i32, i32
  }
}

module attributes {stable_mosaic.version = 14 : i64} {
  func.func @_mlp_body(%arg0: i32, %arg1: memref<6400x16xf32, #tpu.memory_space<vmem>>, %arg2: memref<6400x128xf32, #tpu.memory_space<vmem>>, %arg3: memref<6400x128xf32, #tpu.memory_space<vmem>>, %arg4: memref<1x16xf32, #tpu.memory_space<vmem>>, %arg5: memref<1x16xf32, #tpu.memory_space<vmem>>, %arg6: memref<16x64xf32, #tpu.memory_space<vmem>>, %arg7: memref<1x64xf32, #tpu.memory_space<vmem>>, %arg8: memref<64x32xf32, #tpu.memory_space<vmem>>, %arg9: memref<1x32xf32, #tpu.memory_space<vmem>>, %arg10: memref<32x16xf32, #tpu.memory_space<vmem>>, %arg11: memref<1x16xf32, #tpu.memory_space<vmem>>, %arg12: memref<16x8xf32, #tpu.memory_space<vmem>>, %arg13: memref<1x8xf32, #tpu.memory_space<vmem>>, %arg14: memref<8x2xf32, #tpu.memory_space<vmem>>, %arg15: memref<1x2xf32, #tpu.memory_space<vmem>>, %arg16: memref<6400x2xf32, #tpu.memory_space<vmem>>) attributes {dimension_semantics = [#tpu.dimension_semantics<arbitrary>], iteration_bounds = array<i64: 25>, scalar_prefetch = 0 : i64, scratch_operands = 0 : i64, tpu.core_type = #tpu.core_type<tc>, window_params = [{transform_indices = @transform_0, window_bounds = array<i64: 6400, 16>}, {transform_indices = @transform_1, window_bounds = array<i64: 6400, 128>}, {transform_indices = @transform_2, window_bounds = array<i64: 6400, 128>}, {pipeline_mode = #tpu.pipeline_mode<synchronous>, transform_indices = @transform_3, window_bounds = array<i64: 1, 16>}, {pipeline_mode = #tpu.pipeline_mode<synchronous>, transform_indices = @transform_4, window_bounds = array<i64: 1, 16>}, {pipeline_mode = #tpu.pipeline_mode<synchronous>, transform_indices = @transform_5, window_bounds = array<i64: 16, 64>}, {pipeline_mode = #tpu.pipeline_mode<synchronous>, transform_indices = @transform_6, window_bounds = array<i64: 1, 64>}, {pipeline_mode = #tpu.pipeline_mode<synchronous>, transform_indices = @transform_7, window_bounds = array<i64: 64, 32>}, {pipeline_mode = #tpu.pipeline_mode<synchronous>, transform_indices = @transform_8, window_bounds = array<i64: 1, 32>}, {pipeline_mode = #tpu.pipeline_mode<synchronous>, transform_indices = @transform_9, window_bounds = array<i64: 32, 16>}, {pipeline_mode = #tpu.pipeline_mode<synchronous>, transform_indices = @transform_10, window_bounds = array<i64: 1, 16>}, {pipeline_mode = #tpu.pipeline_mode<synchronous>, transform_indices = @transform_11, window_bounds = array<i64: 16, 8>}, {pipeline_mode = #tpu.pipeline_mode<synchronous>, transform_indices = @transform_12, window_bounds = array<i64: 1, 8>}, {pipeline_mode = #tpu.pipeline_mode<synchronous>, transform_indices = @transform_13, window_bounds = array<i64: 8, 2>}, {pipeline_mode = #tpu.pipeline_mode<synchronous>, transform_indices = @transform_14, window_bounds = array<i64: 1, 2>}, {transform_indices = @transform_15, window_bounds = array<i64: 6400, 2>}]} {
    %get3A = arith.constant 0 : index
    %get3A_0 = arith.constant 0 : index
    %get3A_1 = vector.load %arg1[%get3A, %get3A_0] : memref<6400x16xf32, #tpu.memory_space<vmem>>, vector<6400x16xf32>
    %get3A_2 = arith.constant 0 : index
    %get3A_3 = arith.constant 0 : index
    %get3A_4 = vector.load %arg4[%get3A_2, %get3A_3] : memref<1x16xf32, #tpu.memory_space<vmem>>, vector<1x16xf32>
    %mul3A = vector.broadcast %get3A_4 : vector<1x16xf32> to vector<6400x16xf32>
    %mul3A_5 = arith.mulf %get3A_1, %mul3A : vector<6400x16xf32>
    %get3A_6 = arith.constant 0 : index
    %get3A_7 = arith.constant 0 : index
    %get3A_8 = vector.load %arg5[%get3A_6, %get3A_7] : memref<1x16xf32, #tpu.memory_space<vmem>>, vector<1x16xf32>
    %add3A = vector.broadcast %get3A_8 : vector<1x16xf32> to vector<6400x16xf32>
    %add3A_9 = arith.addf %mul3A_5, %add3A : vector<6400x16xf32>
    %get3A_10 = arith.constant 0 : index
    %get3A_11 = arith.constant 0 : index
    %get3A_12 = vector.load %arg2[%get3A_10, %get3A_11] : memref<6400x128xf32, #tpu.memory_space<vmem>>, vector<6400x64xf32>
    %get3A_13 = arith.constant 0 : index
    %get3A_14 = arith.constant 64 : index
    %get3A_15 = vector.load %arg3[%get3A_13, %get3A_14] : memref<6400x128xf32, #tpu.memory_space<vmem>>, vector<6400x64xf32>
    %add3A_16 = arith.addf %get3A_12, %get3A_15 : vector<6400x64xf32>
    %get3A_17 = arith.constant 0 : index
    %get3A_18 = arith.constant 0 : index
    %get3A_19 = vector.load %arg6[%get3A_17, %get3A_18] : memref<16x64xf32, #tpu.memory_space<vmem>>, vector<16x64xf32>
    %dot_general3A = arith.constant dense<0.000000e+00> : vector<6400x64xf32>
    %dot_general3A_20 = tpu.matmul %add3A_9, %get3A_19, %dot_general3A {dimension_numbers = #tpu.dot_dimension_numbers<[1], [0], [0], [1], [0, 0, 1, 1], [], []>, transpose_lhs_hint = false} : vector<6400x16xf32>, vector<16x64xf32>, vector<6400x64xf32> -> vector<6400x64xf32>
    %add3A_21 = arith.addf %add3A_16, %dot_general3A_20 : vector<6400x64xf32>
    %get3A_22 = arith.constant 0 : index
    %get3A_23 = arith.constant 0 : index
    %get3A_24 = vector.load %arg7[%get3A_22, %get3A_23] : memref<1x64xf32, #tpu.memory_space<vmem>>, vector<1x64xf32>
    %add3A_25 = vector.broadcast %get3A_24 : vector<1x64xf32> to vector<6400x64xf32>
    %add3A_26 = arith.addf %add3A_21, %add3A_25 : vector<6400x64xf32>
    %jit3A = arith.constant 1.000000e-01 : f32
    %ge3A = arith.constant 0.000000e+00 : f32
    %ge3A_27 = vector.broadcast %ge3A : f32 to vector<6400x64xf32>
    %ge3A_28 = arith.cmpf oge, %add3A_26, %ge3A_27 : vector<6400x64xf32>
    %mul3A_29 = vector.broadcast %jit3A : f32 to vector<6400x64xf32>
    %mul3A_30 = arith.mulf %mul3A_29, %add3A_26 : vector<6400x64xf32>
    %select_n3A = arith.select %ge3A_28, %add3A_26, %mul3A_30 : vector<6400x64xi1>, vector<6400x64xf32>
    %get3A_31 = arith.constant 0 : index
    %get3A_32 = arith.constant 0 : index
    %get3A_33 = vector.load %arg8[%get3A_31, %get3A_32] : memref<64x32xf32, #tpu.memory_space<vmem>>, vector<64x32xf32>
    %dot_general3A_34 = arith.constant dense<0.000000e+00> : vector<6400x32xf32>
    %dot_general3A_35 = tpu.matmul %select_n3A, %get3A_33, %dot_general3A_34 {dimension_numbers = #tpu.dot_dimension_numbers<[1], [0], [0], [1], [0, 0, 1, 1], [], []>, transpose_lhs_hint = false} : vector<6400x64xf32>, vector<64x32xf32>, vector<6400x32xf32> -> vector<6400x32xf32>
    %get3A_36 = arith.constant 0 : index
    %get3A_37 = arith.constant 0 : index
    %get3A_38 = vector.load %arg9[%get3A_36, %get3A_37] : memref<1x32xf32, #tpu.memory_space<vmem>>, vector<1x32xf32>
    %add3A_39 = vector.broadcast %get3A_38 : vector<1x32xf32> to vector<6400x32xf32>
    %add3A_40 = arith.addf %dot_general3A_35, %add3A_39 : vector<6400x32xf32>
    %jit3A_41 = arith.constant 1.000000e-01 : f32
    %ge3A_42 = arith.constant 0.000000e+00 : f32
    %ge3A_43 = vector.broadcast %ge3A_42 : f32 to vector<6400x32xf32>
    %ge3A_44 = arith.cmpf oge, %add3A_40, %ge3A_43 : vector<6400x32xf32>
    %mul3A_45 = vector.broadcast %jit3A_41 : f32 to vector<6400x32xf32>
    %mul3A_46 = arith.mulf %mul3A_45, %add3A_40 : vector<6400x32xf32>
    %select_n3A_47 = arith.select %ge3A_44, %add3A_40, %mul3A_46 : vector<6400x32xi1>, vector<6400x32xf32>
    %get3A_48 = arith.constant 0 : index
    %get3A_49 = arith.constant 0 : index
    %get3A_50 = vector.load %arg10[%get3A_48, %get3A_49] : memref<32x16xf32, #tpu.memory_space<vmem>>, vector<32x16xf32>
    %dot_general3A_51 = arith.constant dense<0.000000e+00> : vector<6400x16xf32>
    %dot_general3A_52 = tpu.matmul %select_n3A_47, %get3A_50, %dot_general3A_51 {dimension_numbers = #tpu.dot_dimension_numbers<[1], [0], [0], [1], [0, 0, 1, 1], [], []>, transpose_lhs_hint = false} : vector<6400x32xf32>, vector<32x16xf32>, vector<6400x16xf32> -> vector<6400x16xf32>
    %get3A_53 = arith.constant 0 : index
    %get3A_54 = arith.constant 0 : index
    %get3A_55 = vector.load %arg11[%get3A_53, %get3A_54] : memref<1x16xf32, #tpu.memory_space<vmem>>, vector<1x16xf32>
    %add3A_56 = vector.broadcast %get3A_55 : vector<1x16xf32> to vector<6400x16xf32>
    %add3A_57 = arith.addf %dot_general3A_52, %add3A_56 : vector<6400x16xf32>
    %jit3A_58 = arith.constant 1.000000e-01 : f32
    %ge3A_59 = arith.constant 0.000000e+00 : f32
    %ge3A_60 = vector.broadcast %ge3A_59 : f32 to vector<6400x16xf32>
    %ge3A_61 = arith.cmpf oge, %add3A_57, %ge3A_60 : vector<6400x16xf32>
    %mul3A_62 = vector.broadcast %jit3A_58 : f32 to vector<6400x16xf32>
    %mul3A_63 = arith.mulf %mul3A_62, %add3A_57 : vector<6400x16xf32>
    %select_n3A_64 = arith.select %ge3A_61, %add3A_57, %mul3A_63 : vector<6400x16xi1>, vector<6400x16xf32>
    %get3A_65 = arith.constant 0 : index
    %get3A_66 = arith.constant 0 : index
    %get3A_67 = vector.load %arg12[%get3A_65, %get3A_66] : memref<16x8xf32, #tpu.memory_space<vmem>>, vector<16x8xf32>
    %dot_general3A_68 = arith.constant dense<0.000000e+00> : vector<6400x8xf32>
    %dot_general3A_69 = tpu.matmul %select_n3A_64, %get3A_67, %dot_general3A_68 {dimension_numbers = #tpu.dot_dimension_numbers<[1], [0], [0], [1], [0, 0, 1, 1], [], []>, transpose_lhs_hint = false} : vector<6400x16xf32>, vector<16x8xf32>, vector<6400x8xf32> -> vector<6400x8xf32>
    %get3A_70 = arith.constant 0 : index
    %get3A_71 = arith.constant 0 : index
    %get3A_72 = vector.load %arg13[%get3A_70, %get3A_71] : memref<1x8xf32, #tpu.memory_space<vmem>>, vector<1x8xf32>
    %add3A_73 = vector.broadcast %get3A_72 : vector<1x8xf32> to vector<6400x8xf32>
    %add3A_74 = arith.addf %dot_general3A_69, %add3A_73 : vector<6400x8xf32>
    %jit3A_75 = arith.constant 1.000000e-01 : f32
    %ge3A_76 = arith.constant 0.000000e+00 : f32
    %ge3A_77 = vector.broadcast %ge3A_76 : f32 to vector<6400x8xf32>
    %ge3A_78 = arith.cmpf oge, %add3A_74, %ge3A_77 : vector<6400x8xf32>
    %mul3A_79 = vector.broadcast %jit3A_75 : f32 to vector<6400x8xf32>
    %mul3A_80 = arith.mulf %mul3A_79, %add3A_74 : vector<6400x8xf32>
    %select_n3A_81 = arith.select %ge3A_78, %add3A_74, %mul3A_80 : vector<6400x8xi1>, vector<6400x8xf32>
    %get3A_82 = arith.constant 0 : index
    %get3A_83 = arith.constant 0 : index
    %get3A_84 = vector.load %arg14[%get3A_82, %get3A_83] : memref<8x2xf32, #tpu.memory_space<vmem>>, vector<8x2xf32>
    %dot_general3A_85 = arith.constant dense<0.000000e+00> : vector<6400x2xf32>
    %dot_general3A_86 = tpu.matmul %select_n3A_81, %get3A_84, %dot_general3A_85 {dimension_numbers = #tpu.dot_dimension_numbers<[1], [0], [0], [1], [0, 0, 1, 1], [], []>, transpose_lhs_hint = false} : vector<6400x8xf32>, vector<8x2xf32>, vector<6400x2xf32> -> vector<6400x2xf32>
    %get3A_87 = arith.constant 0 : index
    %get3A_88 = arith.constant 0 : index
    %get3A_89 = vector.load %arg15[%get3A_87, %get3A_88] : memref<1x2xf32, #tpu.memory_space<vmem>>, vector<1x2xf32>
    %add3A_90 = vector.broadcast %get3A_89 : vector<1x2xf32> to vector<6400x2xf32>
    %add3A_91 = arith.addf %dot_general3A_86, %add3A_90 : vector<6400x2xf32>
    %swap3A = arith.constant 0 : index
    %swap3A_92 = arith.constant 0 : index
    %swap3A_93 = vector.load %arg16[%swap3A, %swap3A_92] : memref<6400x2xf32, #tpu.memory_space<vmem>>, vector<6400x2xf32>
    tpu.vector_store %arg16[%swap3A, %swap3A_92], %add3A_91 {strides = array<i32>} : memref<6400x2xf32, #tpu.memory_space<vmem>>, vector<6400x2xf32>,
    return
  }
  func.func @transform_0(%arg0: i32) -> (i32, i32) {
    %add3A = arith.constant 0 : i32
    %add3A_0 = arith.addi %arg0, %add3A : i32
    %c0_i32 = arith.constant 0 : i32
    %c0_i32_1 = arith.constant 0 : i32
    return %add3A_0, %c0_i32 : i32, i32
  }
  func.func @transform_1(%arg0: i32) -> (i32, i32) {
    %c0_i32 = arith.constant 0 : i32
    %c0_i32_0 = arith.constant 0 : i32
    return %arg0, %c0_i32 : i32, i32
  }
  func.func @transform_2(%arg0: i32) -> (i32, i32) {
    %c0_i32 = arith.constant 0 : i32
    %c0_i32_0 = arith.constant 0 : i32
    return %arg0, %c0_i32 : i32, i32
  }
  func.func @transform_3(%arg0: i32) -> (i32, i32) {
    %c0_i32 = arith.constant 0 : i32
    %c0_i32_0 = arith.constant 0 : i32
    %c0_i32_1 = arith.constant 0 : i32
    return %c0_i32, %c0_i32_0 : i32, i32
  }
  func.func @transform_4(%arg0: i32) -> (i32, i32) {
    %c0_i32 = arith.constant 0 : i32
    %c0_i32_0 = arith.constant 0 : i32
    %c0_i32_1 = arith.constant 0 : i32
    return %c0_i32, %c0_i32_0 : i32, i32
  }
  func.func @transform_5(%arg0: i32) -> (i32, i32) {
    %c0_i32 = arith.constant 0 : i32
    %c0_i32_0 = arith.constant 0 : i32
    %c0_i32_1 = arith.constant 0 : i32
    return %c0_i32, %c0_i32_0 : i32, i32
  }
  func.func @transform_6(%arg0: i32) -> (i32, i32) {
    %c0_i32 = arith.constant 0 : i32
    %c0_i32_0 = arith.constant 0 : i32
    %c0_i32_1 = arith.constant 0 : i32
    return %c0_i32, %c0_i32_0 : i32, i32
  }
  func.func @transform_7(%arg0: i32) -> (i32, i32) {
    %c0_i32 = arith.constant 0 : i32
    %c0_i32_0 = arith.constant 0 : i32
    %c0_i32_1 = arith.constant 0 : i32
    return %c0_i32, %c0_i32_0 : i32, i32
  }
  func.func @transform_8(%arg0: i32) -> (i32, i32) {
    %c0_i32 = arith.constant 0 : i32
    %c0_i32_0 = arith.constant 0 : i32
    %c0_i32_1 = arith.constant 0 : i32
    return %c0_i32, %c0_i32_0 : i32, i32
  }
  func.func @transform_9(%arg0: i32) -> (i32, i32) {
    %c0_i32 = arith.constant 0 : i32
    %c0_i32_0 = arith.constant 0 : i32
    %c0_i32_1 = arith.constant 0 : i32
    return %c0_i32, %c0_i32_0 : i32, i32
  }
  func.func @transform_10(%arg0: i32) -> (i32, i32) {
    %c0_i32 = arith.constant 0 : i32
    %c0_i32_0 = arith.constant 0 : i32
    %c0_i32_1 = arith.constant 0 : i32
    return %c0_i32, %c0_i32_0 : i32, i32
  }
  func.func @transform_11(%arg0: i32) -> (i32, i32) {
    %c0_i32 = arith.constant 0 : i32
    %c0_i32_0 = arith.constant 0 : i32
    %c0_i32_1 = arith.constant 0 : i32
    return %c0_i32, %c0_i32_0 : i32, i32
  }
  func.func @transform_12(%arg0: i32) -> (i32, i32) {
    %c0_i32 = arith.constant 0 : i32
    %c0_i32_0 = arith.constant 0 : i32
    %c0_i32_1 = arith.constant 0 : i32
    return %c0_i32, %c0_i32_0 : i32, i32
  }
  func.func @transform_13(%arg0: i32) -> (i32, i32) {
    %c0_i32 = arith.constant 0 : i32
    %c0_i32_0 = arith.constant 0 : i32
    %c0_i32_1 = arith.constant 0 : i32
    return %c0_i32, %c0_i32_0 : i32, i32
  }
  func.func @transform_14(%arg0: i32) -> (i32, i32) {
    %c0_i32 = arith.constant 0 : i32
    %c0_i32_0 = arith.constant 0 : i32
    %c0_i32_1 = arith.constant 0 : i32
    return %c0_i32, %c0_i32_0 : i32, i32
  }
  func.func @transform_15(%arg0: i32) -> (i32, i32) {
    %c0_i32 = arith.constant 0 : i32
    %c0_i32_0 = arith.constant 0 : i32
    return %arg0, %c0_i32 : i32, i32
  }
}

</mosaic_0001>

<sc_bundles>
// kernel: kernel.12.cloned.1.call-start
scs
__scs_entry_jumppad:
0x0: {  	(pc) =	sbr.rel $0x88, $3  }
0x1: {  	(tag) =	ssettag $0x0;
	lr =	simm.s32 $0x1  }
0x2: {  	[smem:$0x3F8A] =	sst lr;
	_ =	strace $0xD0000000  }
0x3: {  	_ = 	snop  }
0x4: {  	_ = 	snop  }
0x5: {  	_ = 	snop  }
0x6: {  	_ = 	snop  }
0x7: {  	_ = 	snop  }
__scs_overlays_trampoline_lowered:
0x8: {  	[smem:$0x3F99] =	sst s0  }
0x9: {  	[smem:$0x3F9A] =	sst s1  }
0xa: {  	[smem:$0x3F9B] =	sst s2  }
0xb: {  	[smem:$0x3F9C] =	sst s3  }
0xc: {  	[smem:$0x3F9D] =	sst s4  }
0xd: {  	[smem:$0x3F9E] =	sst s5  }
0xe: {  	[smem:$0x3F9F] =	sst s6  }
0xf: {  	[smem:$0x3FA0] =	sst s7  }
0x10: {  	[smem:$0x3FA1] =	sst s8  }
0x11: {  	[smem:$0x3FA2] =	sst s9;
	s0 =	simm.s32 @!p0 $0x0  }
0x12: {  	s1 =	sld [smem:$0x3F88];
	s0 =	simm.s32 @p0 $0x1  }
0x13: {  	[smem:$0x3FA3] =	sst s0;
	s0 =	simm.s32 @!p1 $0x0  }
0x14: {  	s2 =	sld [smem:$0x3F87];
	s0 =	simm.s32 @p1 $0x1  }
0x15: {  	[smem:$0x3FA4] =	sst s0;
	s0 =	simm.s32 @!p2 $0x0  }
0x16: {  	s3 =	sld [smem:$0x3FDB];
	s0 =	simm.s32 @p2 $0x1  }
0x17: {  	s4 =	simm.s32 $0x1BF5;
	[smem:$0x3FA6] =	sst s0  }
0x18: {  	s0 =	sld [smem:$0x3F89];
	_ =	swait.ge [sflag:s4], $0x0  }
0x19: {  	s7 =	sld [smem:$0x3F8A]  }
0x1a: {  	s8 =	sadd.s32 $0xFFFFE003, lr  }
0x1b: {  	s9 =	sadd.s32 $0xFFFFFEF7, lr;
	s5 =	simm.s32 $0xFFFFFFFF;
	p2 =	slt.u32 s8, $0xFFFFF086  }
0x1c: {  	p1 =	slt.u32 s9, $0xF7A;
	s5 =	simm.s32 @!p2 $0x0  }
0x1d: {  	s5 =	simm.s32 @p1 $0x1;
	p0 =	seq.s32 s7, s2  }
0x1e: {  	s7 =	smul.u32 @!p0 $0xF7A, s2;
	p2 =	seq.s32 @!p0 s5, $0x0  }
0x1f: {  	s9 =	smul.u32 $0xF7A, s1;
	s8 =	simm.s32 @!p0 $0x1BF5;
	p2 =	por !p2, p0  }
0x20: {  	[sflag:s8] =	ssyncset.s32 @!p0 $0xFFFFF086;
	s6 =	sadd.s32 @!p0 s3, s7;
	s7 =	simm.s32 @!p0 $0x108  }
0x21: {  	s3 =	sadd.s32 s3, s9;
	s6 =	sadd.s32 @!p0 $0x88, s6;
	s7 =	simm.s32 @p2 $0x1082  }
0x22: {  	[simem:s7], [sflag:s8] =	dma.local @!p0 [hbm:s6], $0xF7A  }
0x23: {  	s9 =	sor.u32 $0xD0000000, s2;
	s6 =	simm.s32 $0x108;
	_ =	swait.ge @!p0 [sflag:s8], $0x0  }
0x24: {  	s3 =	sadd.s32 $0x88, s3;
	s6 =	simm.s32 @!p1 $0x1082;
	[sflag:s4] =	ssyncset.s32 $0xFFFFF086  }
0x25: {  	[simem:s6], [sflag:s4] =	dma.local [hbm:s3], $0xF7A  }
0x26: {  	[smem:$0x3F8A] =	sst s1;
	(tag) =	ssettag s2;
	_ =	strace s9  }
0x27: {  	s1 =	sld [smem:$0x3F9A]  }
0x28: {  	s2 =	sld [smem:$0x3F9B]  }
0x29: {  	s4 =	sld [smem:$0x3F9D]  }
0x2a: {  	p0 =	seq.s32 s5, $0x0;
	s5 =	sld [smem:$0x3F9E]  }
0x2b: {  	s6 =	sld [smem:$0x3F9F]  }
0x2c: {  	s7 =	sld [smem:$0x3FA0]  }
0x2d: {  	s3 =	simm.s32 $0x108;
	s8 =	sld [smem:$0x3FA1]  }
0x2e: {  	s3 =	simm.s32 @!p0 $0x1082;
	s9 =	sld [smem:$0x3FA2]  }
0x2f: {  	lr =	sadd.s32 s0, s3;
	s0 =	sld [smem:$0x3F99]  }
0x30: {  	s3 =	sld [smem:$0x3F9C]  }
0x31: {  	[smem:$0x3FA5] =	sst s10  }
0x32: {  	s10 =	sld [smem:$0x3FA3];
	_ =	sdelay $0x3  }
0x33: {  	p0 =	seq.s32 s10, $0x1;
	s10 =	sld [smem:$0x3FA5];
	_ =	sdelay $0x3  }
0x34: {  	[smem:$0x3FA5] =	sst s10  }
0x35: {  	s10 =	sld [smem:$0x3FA4];
	_ =	sdelay $0x3  }
0x36: {  	p1 =	seq.s32 s10, $0x1;
	s10 =	sld [smem:$0x3FA5];
	_ =	sdelay $0x3  }
0x37: {  	[smem:$0x3FA5] =	sst s10  }
0x38: {  	s10 =	sld [smem:$0x3FA6]  }
0x39: {  	_ = 	snop;
	(pc) =	sbr.ind lr, $3  }
0x3a: {  	_ = 	snop  }
0x3b: {  	_ = 	snop  }
0x3c: {  	p2 =	seq.s32 s10, $0x1;
	s10 =	sld [smem:$0x3FA5]  }
0x3d: {  	_ =	shalt  }
0x3e: {  	_ =	shalt  }
0x3f: {  	_ =	shalt  }
0x40: {  	_ =	shalt  }
0x41: {  	_ =	shalt  }
0x42: {  	_ =	shalt  }
0x43: {  	_ =	shalt  }
0x44: {  	_ =	shalt  }
0x45: {  	_ =	shalt  }
0x46: {  	_ =	shalt  }
0x47: {  	_ =	shalt  }
0x48: {  	_ =	shalt  }
0x49: {  	_ =	shalt  }
0x4a: {  	_ =	shalt  }
0x4b: {  	_ =	shalt  }
0x4c: {  	_ =	shalt  }
0x4d: {  	_ =	shalt  }
0x4e: {  	_ =	shalt  }
0x4f: {  	_ =	shalt  }
0x50: {  	_ =	shalt  }
0x51: {  	_ =	shalt  }
0x52: {  	_ =	shalt  }
0x53: {  	_ =	shalt  }
0x54: {  	_ =	shalt  }
0x55: {  	_ =	shalt  }
0x56: {  	_ =	shalt  }
0x57: {  	_ =	shalt  }
0x58: {  	_ =	shalt  }
0x59: {  	_ =	shalt  }
0x5a: {  	_ =	shalt  }
0x5b: {  	_ =	shalt  }
0x5c: {  	_ =	shalt  }
0x5d: {  	_ =	shalt  }
0x5e: {  	_ =	shalt  }
0x5f: {  	_ =	shalt  }
0x60: {  	_ =	shalt  }
0x61: {  	_ =	shalt  }
0x62: {  	_ =	shalt  }
0x63: {  	_ =	shalt  }
0x64: {  	_ =	shalt  }
0x65: {  	_ =	shalt  }
0x66: {  	_ =	shalt  }
0x67: {  	_ =	shalt  }
0x68: {  	_ =	shalt  }
0x69: {  	_ =	shalt  }
0x6a: {  	_ =	shalt  }
0x6b: {  	_ =	shalt  }
0x6c: {  	_ =	shalt  }
0x6d: {  	_ =	shalt  }
0x6e: {  	_ =	shalt  }
0x6f: {  	_ =	shalt  }
0x70: {  	_ =	shalt  }
0x71: {  	_ =	shalt  }
0x72: {  	_ =	shalt  }
0x73: {  	_ =	shalt  }
0x74: {  	_ =	shalt  }
0x75: {  	_ =	shalt  }
0x76: {  	_ =	shalt  }
0x77: {  	_ =	shalt  }
0x78: {  	_ =	shalt  }
0x79: {  	_ =	shalt  }
0x7a: {  	_ =	shalt  }
0x7b: {  	_ =	shalt  }
0x7c: {  	_ =	shalt  }
0x7d: {  	_ =	shalt  }
0x7e: {  	_ =	shalt  }
0x7f: {  	_ =	shalt  }
0x80: {  	_ =	shalt  }
0x81: {  	_ =	shalt  }
0x82: {  	_ =	shalt  }
0x83: {  	_ =	shalt  }
0x84: {  	_ =	shalt  }
0x85: {  	_ =	shalt  }
0x86: {  	_ =	shalt  }
0x87: {  	_ =	shalt  }
.Lfunc_end0:
.L_simem_size_0:
called_computation_lowered:
.L_overlay_start_0:
0x88: {  	s2 =	sld [smem:$0x3FD9]  }
0x89: {  	s3 =	sld [smem:$0x3FFE];
	_ =	sdelay $0x1  }
0x8a: {  	s1 =	srdreg.scid  }
0x8b: {  	s0 =	sand.u32 $0x1, s1  }
0x8c: {  	s17 =	sshll.u32 s0, $0xA;
	s2 =	sadd.s32 s3, s2  }
0x8d: {  	s2 =	sadd.s32 s2, s17  }
0x8e: {  	[smem:$0x3FB1] =	sst s2  }
0x8f: {  	_ = 	snop  }
0x90: {  	s2 =	sld [smem:$0x3FD0];
	(tm) =	ssettm $0x1  }
0x91: {  	s18 =	sld [smem:$0x3FFB];
	_ =	sdelay $0x3  }
0x92: {  	_ =	strace s18  }
0x93: {  	s3 =	sld [smem:$0x3FFC];
	_ =	sdelay $0x3  }
0x94: {  	_ =	strace s3  }
0x95: {  	s3 =	sld [smem:$0x3FFD];
	_ =	sdelay $0x3  }
0x96: {  	_ =	strace s3  }
0x97: {  	_ =	strace $0x8FFFFFFF  }
0x98: {  	s19 =	sld [smem:$0x3FDB];
	_ =	sdelay $0x1  }
0x99: {  	s4 =	simm.s32 $_scs_section_size  }
0x9a: {  	s5 =	simm.s32 $_size__tile_overlayer_lowered;
	s6 =	simm.s32 $_tile_overlayer_lowered  }
0x9b: {  	s22 =	simm.s32 $0x1BFF;
	s21 =	sshll.u32 s6, $0x1;
	s3 =	sadd.s32 s4, s19  }
0x9c: {  	s7 =	simm.s32 $0x0;
	s20 =	sshll.u32 s5, $0x1;
	s5 =	sadd.s32 s21, s3  }
0x9d: {  	[timem:s7], [sflag:s22] =	dma.local [hbm:s5], s20  }
0x9e: {  	_ =	swait.ge [sflag:s22], s20  }
0x9f: {  	s4 =	ssub.s32 $0x0, s20;
	[sflag:s22] =	ssyncset.done $0x0  }
0xa0: {  	[sflag:s22] =	ssyncadd.s32 s4;
	_ =	sdelay $0x1  }
0xa1: {  	s23 =	simm.s32 $0x1B8B  }
0xa2: {  	_ =	swait.ge [sflag:s23], $0x1  }
0xa3: {  	[sflag:s23] =	ssyncset.done $0x0  }
0xa4: {  	s25 =	simm.s32 $0x1B8E;
	s24 =	sld [smem:$0x3FFE];
	[sflag:s23] =	ssyncadd.s32 $0xFFFFFFFF  }
0xa5: {  	s26 =	simm.s32 $execute0_lowered;
	[smem:$0x3FD2] =	sst s25  }
0xa6: {  	s5 =	sshll.u32 s26, $0x1;
	_ =	strace $0x80000046;
	[dreg:$0x1] =	wrdreg $0xFFFFFFFF  }
0xa7: {  	s28 =	simm.s32 $_size_execute0_lowered;
	s3 =	sadd.s32 s3, s5;
	[dreg:$0x0] =	wrdreg $0x0  }
0xa8: {  	s5 =	sshll.u32 s28, $0x1;
	[dreg:$0x2] =	wrdreg s3  }
0xa9: {  	[dreg:$0x3] =	wrdreg s5  }
0xaa: {  	[dreg:$0x4] =	wrdreg $0xC0  }
0xab: {  	_ =	task [dreg:s7], $0x5FFFF  }
0xac: {  	[dreg:$0x1] =	wrdreg $0xFFFFFFFF  }
0xad: {  	[dreg:$0x0] =	wrdreg $0x60  }
0xae: {  	[dreg:$0x2] =	wrdreg s2  }
0xaf: {  	[dreg:$0x3] =	wrdreg s24  }
0xb0: {  	[dreg:$0x4] =	wrdreg $0x9  }
0xb1: {  	_ =	task.clear_ibuf [dreg:s7], $0x5FFFF;
	_ =	strace $0x90000046  }
0xb2: {  	s29 =	simm.s32 $0x9;
	_ =	strace $0x80000048  }
0xb3: {  	_ =	swait.ge [sflag:s29], $0x1  }
0xb4: {  	[sflag:s29] =	ssyncadd.s32 $0xFFFFFFFF  }
0xb5: {  	_ =	strace $0x90000048  }
0xb6: {  	_ =	sfence  }
0xb7: {  	s30 =	sld [smem:$0x0];
	_ =	sdelay $0x2  }
0xb8: {  	s31 =	sshll.u32 s1, $0xD;
	s1 =	sshrl.u32 s1, $0x2  }
0xb9: {  	s3 =	sand.u32 $0x4000, s31;
	s1 =	sadd.s32 s1, s30  }
0xba: {  	s0 =	sor.u32 s3, s0;
	s1 =	sshll.u32 s1, $0x11  }
0xbb: {  	s0 =	sor.u32 s1, s0  }
0xbc: {  	s0 =	sadd.s32 $0x8F2B, s0  }
0xbd: {  	[sflag:s0] =	ssyncadd.remote.s32 $0x1  }
0xbe: {  	_ =	sfence.sel $0xFFFF  }
0xbf: {  	[dreg:$0x0] =	wrdreg $0xFFFFFFFF;
	(pc) =	sbr.abs _section_cstart, $3  }
0xc0: {  	[dreg:$0x1] =	wrdreg $0xFFFFFFFF  }
0xc1: {  	_ =	task.clear_ibuf [dreg:s7], $0x2FFFF;
	_ =	strace $0x9FFFFFFF  }
0xc2: {  	(tm) =	ssettm $0x7FFFFFFF  }
0xc3: {  	_ =	shalt  }
tec
execute0_lowered:
.L_overlay_start_1:
0x0: {  	(tag) =	ssettag $0x1  }
0x1: {  	s1 =	srdreg.scid;
	s0 =	stileid.u32  }
0x2: {  	s16 =	sand.u32 $0x1, s1;
	s26 =	sshll.u32 s0, $0x1  }
0x3: {  	s2 =	rddreg [dreg:$0x0];
	s8 =	sor.u32 s16, s26  }
0x4: {  	s9 =	rddreg [dreg:$0x1];
	s17 =	smul.u32 $0x2710, s8  }
0x5: {  	s3 =	simm.s32 $0x0;
	s1 =	rddreg [dreg:$0x2]  }
0x6: {  	[smem:$0x7FF] =	sst s3;
	s15 =	sadd.s32 $0x6000, s9;
	s4 =	sshrl.u32 s17, $0x3  }
0x7: {  	_ =	strace $0x80000047;
	s5 =	sadd.s32 s15, s4;
	s4 =	simm.s32 $0x2  }
0x8: {  	[tilespmem:s3], [sflag:$0x2] =	stream.linear.gather [hbm4b:s5+s3], $0x7D0, $0x38;
	[tilespmem:$0x84D0] =	vst v63  }
0x9: {  	_ =	swait.ge [sflag:s4], $0x7D0  }
0xa: {  	[sflag:s4] =	ssyncset.done $0x0  }
0xb: {  	s6 =	simm.s32 $0x7D0;
	s7 =	simm.s32 $0x1;
	[sflag:s4] =	ssyncadd.s32 $0xFFFFF830  }
0xc: {  	[tilespmem:s6], [sflag:$0x1] =	stream.indirect.gather [hbm4b:s2+s6], $0x10, s3, s6, $0xb8;
	[tilespmem:$0x84D0] =	vst v63  }
0xd: {  	s8 =	smul.u32 $0x4E20, s8;
	_ =	swait.ge [sflag:s7], $0x7D00  }
0xe: {  	s18 =	sadd.s32 $0xFE00, s9;
	[sflag:s7] =	ssyncset.done $0x0  }
0xf: {  	s8 =	sadd.s32 s18, s8;
	[sflag:s7] =	ssyncadd.s32 $0xFFFF8300  }
0x10: {  	[hbm4b:s8+s3] =	stream.linear.scatter [tilespmem:s6], [sflag:$0x2], $0x7D00, $0x38;
	[tilespmem:$0x84D0] =	vst v63  }
0x11: {  	s10 =	sadd.s32 $0x7D0, s17;
	_ =	swait.ge [sflag:s4], $0x7D00  }
0x12: {  	s28 =	sshrl.u32 s10, $0x3;
	[sflag:s4] =	ssyncset.done $0x0  }
0x13: {  	s9 =	sadd.s32 s15, s28;
	[sflag:s4] =	ssyncadd.s32 $0xFFFF8300  }
0x14: {  	[tilespmem:s3], [sflag:$0x2] =	stream.linear.gather [hbm4b:s9+s3], $0x7D0, $0x38;
	[tilespmem:$0x84D0] =	vst v63  }
0x15: {  	_ =	swait.ge [sflag:s4], $0x7D0  }
0x16: {  	[sflag:s4] =	ssyncset.done $0x0  }
0x17: {  	[sflag:s4] =	ssyncadd.s32 $0xFFFFF830  }
0x18: {  	[tilespmem:s6], [sflag:$0x1] =	stream.indirect.gather [hbm4b:s2+s6], $0x10, s3, s6, $0xb8;
	[tilespmem:$0x84D0] =	vst v63  }
0x19: {  	_ =	swait.ge [sflag:s7], $0x7D00  }
0x1a: {  	s10 =	sshll.u32 s10, $0x1;
	[sflag:s7] =	ssyncset.done $0x0  }
0x1b: {  	s10 =	sadd.s32 s18, s10;
	[sflag:s7] =	ssyncadd.s32 $0xFFFF8300  }
0x1c: {  	[hbm4b:s10+s3] =	stream.linear.scatter [tilespmem:s6], [sflag:$0x2], $0x7D00, $0x38;
	[tilespmem:$0x84D0] =	vst v63  }
0x1d: {  	s12 =	sadd.s32 $0xFA0, s17;
	_ =	swait.ge [sflag:s4], $0x7D00  }
0x1e: {  	s11 =	sshrl.u32 s12, $0x3;
	[sflag:s4] =	ssyncset.done $0x0  }
0x1f: {  	s11 =	sadd.s32 s15, s11;
	[sflag:s4] =	ssyncadd.s32 $0xFFFF8300  }
0x20: {  	[tilespmem:s3], [sflag:$0x2] =	stream.linear.gather [hbm4b:s11+s3], $0x7D0, $0x38;
	[tilespmem:$0x84D0] =	vst v63  }
0x21: {  	_ =	swait.ge [sflag:s4], $0x7D0  }
0x22: {  	[sflag:s4] =	ssyncset.done $0x0  }
0x23: {  	[sflag:s4] =	ssyncadd.s32 $0xFFFFF830  }
0x24: {  	[tilespmem:s6], [sflag:$0x1] =	stream.indirect.gather [hbm4b:s2+s6], $0x10, s3, s6, $0xb8;
	[tilespmem:$0x84D0] =	vst v63  }
0x25: {  	_ =	swait.ge [sflag:s7], $0x7D00  }
0x26: {  	s12 =	sshll.u32 s12, $0x1;
	[sflag:s7] =	ssyncset.done $0x0  }
0x27: {  	s12 =	sadd.s32 s18, s12;
	[sflag:s7] =	ssyncadd.s32 $0xFFFF8300  }
0x28: {  	[hbm4b:s12+s3] =	stream.linear.scatter [tilespmem:s6], [sflag:$0x2], $0x7D00, $0x38;
	[tilespmem:$0x84D0] =	vst v63  }
0x29: {  	s14 =	sadd.s32 $0x1770, s17;
	_ =	swait.ge [sflag:s4], $0x7D00  }
0x2a: {  	s13 =	sshrl.u32 s14, $0x3;
	[sflag:s4] =	ssyncset.done $0x0  }
0x2b: {  	s13 =	sadd.s32 s15, s13;
	[sflag:s4] =	ssyncadd.s32 $0xFFFF8300  }
0x2c: {  	[tilespmem:s3], [sflag:$0x2] =	stream.linear.gather [hbm4b:s13+s3], $0x7D0, $0x38;
	[tilespmem:$0x84D0] =	vst v63  }
0x2d: {  	_ =	swait.ge [sflag:s4], $0x7D0  }
0x2e: {  	[sflag:s4] =	ssyncset.done $0x0  }
0x2f: {  	[sflag:s4] =	ssyncadd.s32 $0xFFFFF830  }
0x30: {  	[tilespmem:s6], [sflag:$0x1] =	stream.indirect.gather [hbm4b:s2+s6], $0x10, s3, s6, $0xb8;
	[tilespmem:$0x84D0] =	vst v63  }
0x31: {  	_ =	swait.ge [sflag:s7], $0x7D00  }
0x32: {  	s14 =	sshll.u32 s14, $0x1;
	[sflag:s7] =	ssyncset.done $0x0  }
0x33: {  	s14 =	sadd.s32 s18, s14;
	[sflag:s7] =	ssyncadd.s32 $0xFFFF8300  }
0x34: {  	[hbm4b:s14+s3] =	stream.linear.scatter [tilespmem:s6], [sflag:$0x2], $0x7D00, $0x38;
	[tilespmem:$0x84D0] =	vst v63  }
0x35: {  	s17 =	sadd.s32 $0x1F40, s17;
	_ =	swait.ge [sflag:s4], $0x7D00  }
0x36: {  	s19 =	sshrl.u32 s17, $0x3;
	[sflag:s4] =	ssyncset.done $0x0  }
0x37: {  	s16 =	ssub.s32 $0x2, s16;
	s15 =	sadd.s32 s15, s19;
	[sflag:s4] =	ssyncadd.s32 $0xFFFF8300  }
0x38: {  	[tilespmem:s3], [sflag:$0x2] =	stream.linear.gather [hbm4b:s15+s3], $0x7D0, $0x38;
	[tilespmem:$0x84D0] =	vst v63  }
0x39: {  	s29 =	sshrl.u32 s16, $0x1;
	_ =	swait.ge [sflag:s4], $0x7D0  }
0x3a: {  	s19 =	ssub.s32 s16, s29;
	[sflag:s4] =	ssyncset.done $0x0  }
0x3b: {  	s31 =	smax.u32 s19, $0x1;
	[sflag:s4] =	ssyncadd.s32 $0xFFFFF830  }
0x3c: {  	[tilespmem:s6], [sflag:$0x1] =	stream.indirect.gather [hbm4b:s2+s6], $0x10, s3, s6, $0xb8;
	[tilespmem:$0x84D0] =	vst v63  }
0x3d: {  	p0 =	sne.s32 s31, $0x1;
	_ =	swait.ge [sflag:s7], $0x7D00  }
.Ltmp0:
0x3e: {  	s30 =	sshll.u32 s17, $0x1;
	[sflag:s7] =	ssyncset.done $0x0;
	(pc) =	sbr.rel @!p0 .LBB2_2-.Ltmp0, $4  }
0x3f: {  	s16 =	sadd.s32 s18, s30;
	[sflag:s7] =	ssyncadd.s32 $0xFFFF8300  }
0x40: {  	[hbm4b:s16+s3] =	stream.linear.scatter [tilespmem:s6], [sflag:$0x2], $0x7D00, $0x38;
	[tilespmem:$0x84D0] =	vst v63  }
0x41: {  	_ =	swait.ge [sflag:s4], $0x7D00  }
0x42: {  	s17 =	sadd.s32 $0xFFFFFFFF, s31;
	[sflag:s4] =	ssyncset.done $0x0  }
.LBB2_1:
0x43: {  	p0 =	sne.s32 s17, $0x1;
	s17 =	sadd.s32 $0xFFFFFFFF, s17;
	[sflag:s4] =	ssyncadd.s32 $0xFFFF8300  }
0x44: {  	[tilespmem:s3], [sflag:$0x2] =	stream.linear.gather [hbm4b:s5+s3], $0x7D0, $0x38;
	[tilespmem:$0x84D0] =	vst v63  }
0x45: {  	_ =	swait.ge [sflag:s4], $0x7D0  }
0x46: {  	[sflag:s4] =	ssyncset.done $0x0  }
0x47: {  	[sflag:s4] =	ssyncadd.s32 $0xFFFFF830  }
0x48: {  	[tilespmem:s6], [sflag:$0x1] =	stream.indirect.gather [hbm4b:s2+s6], $0x10, s3, s6, $0xb8;
	[tilespmem:$0x84D0] =	vst v63  }
0x49: {  	_ =	swait.ge [sflag:s7], $0x7D00  }
0x4a: {  	[sflag:s7] =	ssyncset.done $0x0  }
0x4b: {  	[sflag:s7] =	ssyncadd.s32 $0xFFFF8300  }
0x4c: {  	[hbm4b:s8+s3] =	stream.linear.scatter [tilespmem:s6], [sflag:$0x2], $0x7D00, $0x38;
	[tilespmem:$0x84D0] =	vst v63  }
0x4d: {  	_ =	swait.ge [sflag:s4], $0x7D00  }
0x4e: {  	[sflag:s4] =	ssyncset.done $0x0  }
0x4f: {  	[sflag:s4] =	ssyncadd.s32 $0xFFFF8300  }
0x50: {  	[tilespmem:s3], [sflag:$0x2] =	stream.linear.gather [hbm4b:s9+s3], $0x7D0, $0x38;
	[tilespmem:$0x84D0] =	vst v63  }
0x51: {  	_ =	swait.ge [sflag:s4], $0x7D0  }
0x52: {  	[sflag:s4] =	ssyncset.done $0x0  }
0x53: {  	[sflag:s4] =	ssyncadd.s32 $0xFFFFF830  }
0x54: {  	[tilespmem:s6], [sflag:$0x1] =	stream.indirect.gather [hbm4b:s2+s6], $0x10, s3, s6, $0xb8;
	[tilespmem:$0x84D0] =	vst v63  }
0x55: {  	_ =	swait.ge [sflag:s7], $0x7D00  }
0x56: {  	[sflag:s7] =	ssyncset.done $0x0  }
0x57: {  	[sflag:s7] =	ssyncadd.s32 $0xFFFF8300  }
0x58: {  	[hbm4b:s10+s3] =	stream.linear.scatter [tilespmem:s6], [sflag:$0x2], $0x7D00, $0x38;
	[tilespmem:$0x84D0] =	vst v63  }
0x59: {  	_ =	swait.ge [sflag:s4], $0x7D00  }
0x5a: {  	[sflag:s4] =	ssyncset.done $0x0  }
0x5b: {  	[sflag:s4] =	ssyncadd.s32 $0xFFFF8300  }
0x5c: {  	[tilespmem:s3], [sflag:$0x2] =	stream.linear.gather [hbm4b:s11+s3], $0x7D0, $0x38;
	[tilespmem:$0x84D0] =	vst v63  }
0x5d: {  	_ =	swait.ge [sflag:s4], $0x7D0  }
0x5e: {  	[sflag:s4] =	ssyncset.done $0x0  }
0x5f: {  	[sflag:s4] =	ssyncadd.s32 $0xFFFFF830  }
0x60: {  	[tilespmem:s6], [sflag:$0x1] =	stream.indirect.gather [hbm4b:s2+s6], $0x10, s3, s6, $0xb8;
	[tilespmem:$0x84D0] =	vst v63  }
0x61: {  	_ =	swait.ge [sflag:s7], $0x7D00  }
0x62: {  	[sflag:s7] =	ssyncset.done $0x0  }
0x63: {  	[sflag:s7] =	ssyncadd.s32 $0xFFFF8300  }
0x64: {  	[hbm4b:s12+s3] =	stream.linear.scatter [tilespmem:s6], [sflag:$0x2], $0x7D00, $0x38;
	[tilespmem:$0x84D0] =	vst v63  }
0x65: {  	_ =	swait.ge [sflag:s4], $0x7D00  }
0x66: {  	[sflag:s4] =	ssyncset.done $0x0  }
0x67: {  	[sflag:s4] =	ssyncadd.s32 $0xFFFF8300  }
0x68: {  	[tilespmem:s3], [sflag:$0x2] =	stream.linear.gather [hbm4b:s13+s3], $0x7D0, $0x38;
	[tilespmem:$0x84D0] =	vst v63  }
0x69: {  	_ =	swait.ge [sflag:s4], $0x7D0  }
0x6a: {  	[sflag:s4] =	ssyncset.done $0x0  }
0x6b: {  	[sflag:s4] =	ssyncadd.s32 $0xFFFFF830  }
0x6c: {  	[tilespmem:s6], [sflag:$0x1] =	stream.indirect.gather [hbm4b:s2+s6], $0x10, s3, s6, $0xb8;
	[tilespmem:$0x84D0] =	vst v63  }
0x6d: {  	_ =	swait.ge [sflag:s7], $0x7D00  }
0x6e: {  	[sflag:s7] =	ssyncset.done $0x0  }
0x6f: {  	[sflag:s7] =	ssyncadd.s32 $0xFFFF8300  }
0x70: {  	[hbm4b:s14+s3] =	stream.linear.scatter [tilespmem:s6], [sflag:$0x2], $0x7D00, $0x38;
	[tilespmem:$0x84D0] =	vst v63  }
0x71: {  	_ =	swait.ge [sflag:s4], $0x7D00  }
0x72: {  	[sflag:s4] =	ssyncset.done $0x0  }
0x73: {  	[sflag:s4] =	ssyncadd.s32 $0xFFFF8300  }
0x74: {  	[tilespmem:s3], [sflag:$0x2] =	stream.linear.gather [hbm4b:s15+s3], $0x7D0, $0x38;
	[tilespmem:$0x84D0] =	vst v63  }
0x75: {  	_ =	swait.ge [sflag:s4], $0x7D0  }
0x76: {  	[sflag:s4] =	ssyncset.done $0x0  }
0x77: {  	[sflag:s4] =	ssyncadd.s32 $0xFFFFF830  }
0x78: {  	[tilespmem:s6], [sflag:$0x1] =	stream.indirect.gather [hbm4b:s2+s6], $0x10, s3, s6, $0xb8;
	[tilespmem:$0x84D0] =	vst v63  }
0x79: {  	_ =	swait.ge [sflag:s7], $0x7D00  }
.Ltmp1:
0x7a: {  	[sflag:s7] =	ssyncset.done $0x0;
	(pc) =	sbr.rel @p0 .LBB2_1-.Ltmp1, $4  }
0x7b: {  	[sflag:s7] =	ssyncadd.s32 $0xFFFF8300  }
0x7c: {  	[hbm4b:s16+s3] =	stream.linear.scatter [tilespmem:s6], [sflag:$0x2], $0x7D00, $0x38;
	[tilespmem:$0x84D0] =	vst v63  }
0x7d: {  	_ =	swait.ge [sflag:s4], $0x7D00  }
0x7e: {  	[sflag:s4] =	ssyncset.done $0x0  }
.LBB2_2:
0x7f: {  	[sflag:s4] =	ssyncadd.s32 $0xFFFF8300  }
0x80: {  	_ =	sfence.sel $0x180000  }
0x81: {  	[bflag:$0x0] =	sbarrier.arrive $0xFFFF  }
0x82: {  	p0 =	sne.s32 s0, $0x0;
	_ =	strace $0x90000047  }
0x83: {  	s0 =	sadd.s32 @!p0 $0x100000, s1;
	[bflag:$0x2] =	sbarrier.arrive $0xFFFF  }
0x84: {  	[sflag:s0] =	ssyncadd.tile.s32 @!p0 $0x1;
	_ =	shalt  }
.Lfunc_end2:
_tile_overlayer_lowered:
.L_overlay_start_2:
0x85: {  	(tag) =	ssettag $0x2  }
0x86: {  	s0 =	rddreg [dreg:$0x0];
	s2 =	stileid.u32  }
0x87: {  	s1 =	rddreg [dreg:$0x1];
	p0 =	sne.s32 s2, $0x0  }
0x88: {  	s3 =	rddreg [dreg:$0x2];
	[bflag:$0x3] =	sbarrier.arrive $0xFFFF;
	s2 =	simm.s32 @!p0 $0x1C02  }
0x89: {  	[timem:s3], [sflag:s2] =	dma.local @!p0 [hbm:s0], s1  }
0x8a: {  	s0 =	simm.s32 @!p0 $0x2  }
0x8b: {  	_ =	swait.ge @!p0 [sflag:s0], s1  }
0x8c: {  	s1 =	ssub.s32 @!p0 $0x0, s1;
	[sflag:s0] =	ssyncset.done @!p0 $0x0  }
0x8d: {  	[sflag:s0] =	ssyncadd.s32 @!p0 s1  }
0x8e: {  	[bflag:$0x3] =	sbarrier.arrive $0xFFFF  }
0x8f: {  	_ =	shalt  }

// kernel: kernel.15.cloned.1.call-start
scs
__scs_entry_jumppad:
0x0: {  	(pc) =	sbr.rel $0x88, $3  }
0x1: {  	(tag) =	ssettag $0x0;
	lr =	simm.s32 $0x1  }
0x2: {  	[smem:$0x3F8A] =	sst lr;
	_ =	strace $0xD0000000  }
0x3: {  	_ = 	snop  }
0x4: {  	_ = 	snop  }
0x5: {  	_ = 	snop  }
0x6: {  	_ = 	snop  }
0x7: {  	_ = 	snop  }
__scs_overlays_trampoline_lowered:
0x8: {  	[smem:$0x3F99] =	sst s0  }
0x9: {  	[smem:$0x3F9A] =	sst s1  }
0xa: {  	[smem:$0x3F9B] =	sst s2  }
0xb: {  	[smem:$0x3F9C] =	sst s3  }
0xc: {  	[smem:$0x3F9D] =	sst s4  }
0xd: {  	[smem:$0x3F9E] =	sst s5  }
0xe: {  	[smem:$0x3F9F] =	sst s6  }
0xf: {  	[smem:$0x3FA0] =	sst s7  }
0x10: {  	[smem:$0x3FA1] =	sst s8  }
0x11: {  	[smem:$0x3FA2] =	sst s9;
	s0 =	simm.s32 @!p0 $0x0  }
0x12: {  	s1 =	sld [smem:$0x3F88];
	s0 =	simm.s32 @p0 $0x1  }
0x13: {  	[smem:$0x3FA3] =	sst s0;
	s0 =	simm.s32 @!p1 $0x0  }
0x14: {  	s2 =	sld [smem:$0x3F87];
	s0 =	simm.s32 @p1 $0x1  }
0x15: {  	[smem:$0x3FA4] =	sst s0;
	s0 =	simm.s32 @!p2 $0x0  }
0x16: {  	s3 =	sld [smem:$0x3FDB];
	s0 =	simm.s32 @p2 $0x1  }
0x17: {  	s4 =	simm.s32 $0x1BF5;
	[smem:$0x3FA6] =	sst s0  }
0x18: {  	s0 =	sld [smem:$0x3F89];
	_ =	swait.ge [sflag:s4], $0x0  }
0x19: {  	s7 =	sld [smem:$0x3F8A]  }
0x1a: {  	s8 =	sadd.s32 $0xFFFFE003, lr  }
0x1b: {  	s9 =	sadd.s32 $0xFFFFFEF7, lr;
	s5 =	simm.s32 $0xFFFFFFFF;
	p2 =	slt.u32 s8, $0xFFFFF086  }
0x1c: {  	p1 =	slt.u32 s9, $0xF7A;
	s5 =	simm.s32 @!p2 $0x0  }
0x1d: {  	s5 =	simm.s32 @p1 $0x1;
	p0 =	seq.s32 s7, s2  }
0x1e: {  	s7 =	smul.u32 @!p0 $0xF7A, s2;
	p2 =	seq.s32 @!p0 s5, $0x0  }
0x1f: {  	s9 =	smul.u32 $0xF7A, s1;
	s8 =	simm.s32 @!p0 $0x1BF5;
	p2 =	por !p2, p0  }
0x20: {  	[sflag:s8] =	ssyncset.s32 @!p0 $0xFFFFF086;
	s6 =	sadd.s32 @!p0 s3, s7;
	s7 =	simm.s32 @!p0 $0x108  }
0x21: {  	s3 =	sadd.s32 s3, s9;
	s6 =	sadd.s32 @!p0 $0x88, s6;
	s7 =	simm.s32 @p2 $0x1082  }
0x22: {  	[simem:s7], [sflag:s8] =	dma.local @!p0 [hbm:s6], $0xF7A  }
0x23: {  	s9 =	sor.u32 $0xD0000000, s2;
	s6 =	simm.s32 $0x108;
	_ =	swait.ge @!p0 [sflag:s8], $0x0  }
0x24: {  	s3 =	sadd.s32 $0x88, s3;
	s6 =	simm.s32 @!p1 $0x1082;
	[sflag:s4] =	ssyncset.s32 $0xFFFFF086  }
0x25: {  	[simem:s6], [sflag:s4] =	dma.local [hbm:s3], $0xF7A  }
0x26: {  	[smem:$0x3F8A] =	sst s1;
	(tag) =	ssettag s2;
	_ =	strace s9  }
0x27: {  	s1 =	sld [smem:$0x3F9A]  }
0x28: {  	s2 =	sld [smem:$0x3F9B]  }
0x29: {  	s4 =	sld [smem:$0x3F9D]  }
0x2a: {  	p0 =	seq.s32 s5, $0x0;
	s5 =	sld [smem:$0x3F9E]  }
0x2b: {  	s6 =	sld [smem:$0x3F9F]  }
0x2c: {  	s7 =	sld [smem:$0x3FA0]  }
0x2d: {  	s3 =	simm.s32 $0x108;
	s8 =	sld [smem:$0x3FA1]  }
0x2e: {  	s3 =	simm.s32 @!p0 $0x1082;
	s9 =	sld [smem:$0x3FA2]  }
0x2f: {  	lr =	sadd.s32 s0, s3;
	s0 =	sld [smem:$0x3F99]  }
0x30: {  	s3 =	sld [smem:$0x3F9C]  }
0x31: {  	[smem:$0x3FA5] =	sst s10  }
0x32: {  	s10 =	sld [smem:$0x3FA3];
	_ =	sdelay $0x3  }
0x33: {  	p0 =	seq.s32 s10, $0x1;
	s10 =	sld [smem:$0x3FA5];
	_ =	sdelay $0x3  }
0x34: {  	[smem:$0x3FA5] =	sst s10  }
0x35: {  	s10 =	sld [smem:$0x3FA4];
	_ =	sdelay $0x3  }
0x36: {  	p1 =	seq.s32 s10, $0x1;
	s10 =	sld [smem:$0x3FA5];
	_ =	sdelay $0x3  }
0x37: {  	[smem:$0x3FA5] =	sst s10  }
0x38: {  	s10 =	sld [smem:$0x3FA6]  }
0x39: {  	_ = 	snop;
	(pc) =	sbr.ind lr, $3  }
0x3a: {  	_ = 	snop  }
0x3b: {  	_ = 	snop  }
0x3c: {  	p2 =	seq.s32 s10, $0x1;
	s10 =	sld [smem:$0x3FA5]  }
0x3d: {  	_ =	shalt  }
0x3e: {  	_ =	shalt  }
0x3f: {  	_ =	shalt  }
0x40: {  	_ =	shalt  }
0x41: {  	_ =	shalt  }
0x42: {  	_ =	shalt  }
0x43: {  	_ =	shalt  }
0x44: {  	_ =	shalt  }
0x45: {  	_ =	shalt  }
0x46: {  	_ =	shalt  }
0x47: {  	_ =	shalt  }
0x48: {  	_ =	shalt  }
0x49: {  	_ =	shalt  }
0x4a: {  	_ =	shalt  }
0x4b: {  	_ =	shalt  }
0x4c: {  	_ =	shalt  }
0x4d: {  	_ =	shalt  }
0x4e: {  	_ =	shalt  }
0x4f: {  	_ =	shalt  }
0x50: {  	_ =	shalt  }
0x51: {  	_ =	shalt  }
0x52: {  	_ =	shalt  }
0x53: {  	_ =	shalt  }
0x54: {  	_ =	shalt  }
0x55: {  	_ =	shalt  }
0x56: {  	_ =	shalt  }
0x57: {  	_ =	shalt  }
0x58: {  	_ =	shalt  }
0x59: {  	_ =	shalt  }
0x5a: {  	_ =	shalt  }
0x5b: {  	_ =	shalt  }
0x5c: {  	_ =	shalt  }
0x5d: {  	_ =	shalt  }
0x5e: {  	_ =	shalt  }
0x5f: {  	_ =	shalt  }
0x60: {  	_ =	shalt  }
0x61: {  	_ =	shalt  }
0x62: {  	_ =	shalt  }
0x63: {  	_ =	shalt  }
0x64: {  	_ =	shalt  }
0x65: {  	_ =	shalt  }
0x66: {  	_ =	shalt  }
0x67: {  	_ =	shalt  }
0x68: {  	_ =	shalt  }
0x69: {  	_ =	shalt  }
0x6a: {  	_ =	shalt  }
0x6b: {  	_ =	shalt  }
0x6c: {  	_ =	shalt  }
0x6d: {  	_ =	shalt  }
0x6e: {  	_ =	shalt  }
0x6f: {  	_ =	shalt  }
0x70: {  	_ =	shalt  }
0x71: {  	_ =	shalt  }
0x72: {  	_ =	shalt  }
0x73: {  	_ =	shalt  }
0x74: {  	_ =	shalt  }
0x75: {  	_ =	shalt  }
0x76: {  	_ =	shalt  }
0x77: {  	_ =	shalt  }
0x78: {  	_ =	shalt  }
0x79: {  	_ =	shalt  }
0x7a: {  	_ =	shalt  }
0x7b: {  	_ =	shalt  }
0x7c: {  	_ =	shalt  }
0x7d: {  	_ =	shalt  }
0x7e: {  	_ =	shalt  }
0x7f: {  	_ =	shalt  }
0x80: {  	_ =	shalt  }
0x81: {  	_ =	shalt  }
0x82: {  	_ =	shalt  }
0x83: {  	_ =	shalt  }
0x84: {  	_ =	shalt  }
0x85: {  	_ =	shalt  }
0x86: {  	_ =	shalt  }
0x87: {  	_ =	shalt  }
.Lfunc_end0:
.L_simem_size_0:
called_computation.1_lowered:
.L_overlay_start_0:
0x88: {  	s2 =	sld [smem:$0x3FD9]  }
0x89: {  	s3 =	sld [smem:$0x3FFE];
	_ =	sdelay $0x1  }
0x8a: {  	s1 =	srdreg.scid  }
0x8b: {  	s0 =	sand.u32 $0x1, s1  }
0x8c: {  	s17 =	sshll.u32 s0, $0xA;
	s2 =	sadd.s32 s3, s2  }
0x8d: {  	s2 =	sadd.s32 s2, s17  }
0x8e: {  	[smem:$0x3FB1] =	sst s2  }
0x8f: {  	_ = 	snop  }
0x90: {  	s2 =	sld [smem:$0x3FD0];
	(tm) =	ssettm $0x1  }
0x91: {  	s18 =	sld [smem:$0x3FFB];
	_ =	sdelay $0x3  }
0x92: {  	_ =	strace s18  }
0x93: {  	s3 =	sld [smem:$0x3FFC];
	_ =	sdelay $0x3  }
0x94: {  	_ =	strace s3  }
0x95: {  	s3 =	sld [smem:$0x3FFD];
	_ =	sdelay $0x3  }
0x96: {  	_ =	strace s3  }
0x97: {  	_ =	strace $0x8FFFFFFF  }
0x98: {  	s19 =	sld [smem:$0x3FDB];
	_ =	sdelay $0x1  }
0x99: {  	s4 =	simm.s32 $_scs_section_size  }
0x9a: {  	s5 =	simm.s32 $_size__tile_overlayer_lowered;
	s6 =	simm.s32 $_tile_overlayer_lowered  }
0x9b: {  	s22 =	simm.s32 $0x1BFF;
	s21 =	sshll.u32 s6, $0x1;
	s3 =	sadd.s32 s4, s19  }
0x9c: {  	s7 =	simm.s32 $0x0;
	s20 =	sshll.u32 s5, $0x1;
	s5 =	sadd.s32 s21, s3  }
0x9d: {  	[timem:s7], [sflag:s22] =	dma.local [hbm:s5], s20  }
0x9e: {  	_ =	swait.ge [sflag:s22], s20  }
0x9f: {  	s4 =	ssub.s32 $0x0, s20;
	[sflag:s22] =	ssyncset.done $0x0  }
0xa0: {  	[sflag:s22] =	ssyncadd.s32 s4;
	_ =	sdelay $0x1  }
0xa1: {  	s23 =	simm.s32 $0x1B8B  }
0xa2: {  	_ =	swait.ge [sflag:s23], $0x1  }
0xa3: {  	[sflag:s23] =	ssyncset.done $0x0  }
0xa4: {  	s25 =	simm.s32 $0x1B8E;
	s24 =	sld [smem:$0x3FFE];
	[sflag:s23] =	ssyncadd.s32 $0xFFFFFFFF  }
0xa5: {  	s26 =	simm.s32 $execute0_lowered;
	[smem:$0x3FD2] =	sst s25  }
0xa6: {  	s5 =	sshll.u32 s26, $0x1;
	_ =	strace $0x80000049;
	[dreg:$0x1] =	wrdreg $0xFFFFFFFF  }
0xa7: {  	s28 =	simm.s32 $_size_execute0_lowered;
	s3 =	sadd.s32 s3, s5;
	[dreg:$0x0] =	wrdreg $0x0  }
0xa8: {  	s5 =	sshll.u32 s28, $0x1;
	[dreg:$0x2] =	wrdreg s3  }
0xa9: {  	[dreg:$0x3] =	wrdreg s5  }
0xaa: {  	[dreg:$0x4] =	wrdreg $0xC0  }
0xab: {  	_ =	task [dreg:s7], $0x5FFFF  }
0xac: {  	[dreg:$0x1] =	wrdreg $0xFFFFFFFF  }
0xad: {  	[dreg:$0x0] =	wrdreg $0x60  }
0xae: {  	[dreg:$0x2] =	wrdreg s24  }
0xaf: {  	[dreg:$0x3] =	wrdreg s2  }
0xb0: {  	[dreg:$0x4] =	wrdreg $0x80E80  }
0xb1: {  	[dreg:$0x5] =	wrdreg $0x9  }
0xb2: {  	_ =	task.clear_ibuf [dreg:s7], $0x6FFFF;
	_ =	strace $0x90000049  }
0xb3: {  	s29 =	simm.s32 $0x9;
	_ =	strace $0x8000004B  }
0xb4: {  	_ =	swait.ge [sflag:s29], $0x1  }
0xb5: {  	[sflag:s29] =	ssyncadd.s32 $0xFFFFFFFF  }
0xb6: {  	_ =	strace $0x9000004B  }
0xb7: {  	_ =	sfence  }
0xb8: {  	s30 =	sld [smem:$0x0];
	_ =	sdelay $0x2  }
0xb9: {  	s31 =	sshll.u32 s1, $0xD;
	s1 =	sshrl.u32 s1, $0x2  }
0xba: {  	s3 =	sand.u32 $0x4000, s31;
	s1 =	sadd.s32 s1, s30  }
0xbb: {  	s0 =	sor.u32 s3, s0;
	s1 =	sshll.u32 s1, $0x11  }
0xbc: {  	s0 =	sor.u32 s1, s0  }
0xbd: {  	s0 =	sadd.s32 $0x8F2B, s0  }
0xbe: {  	[sflag:s0] =	ssyncadd.remote.s32 $0x1  }
0xbf: {  	_ =	sfence.sel $0xFFFF  }
0xc0: {  	[dreg:$0x0] =	wrdreg $0xFFFFFFFF;
	(pc) =	sbr.abs _section_cstart, $3  }
0xc1: {  	[dreg:$0x1] =	wrdreg $0xFFFFFFFF  }
0xc2: {  	_ =	task.clear_ibuf [dreg:s7], $0x2FFFF;
	_ =	strace $0x9FFFFFFF  }
0xc3: {  	(tm) =	ssettm $0x7FFFFFFF  }
tec
execute0_lowered:
.L_overlay_start_1:
0x0: {  	(tag) =	ssettag $0x1  }
0x1: {  	s3 =	rddreg [dreg:$0x0]  }
0x2: {  	s4 =	rddreg [dreg:$0x1]  }
0x3: {  	s1 =	rddreg [dreg:$0x2]  }
0x4: {  	s0 =	rddreg [dreg:$0x3];
	s8 =	stileid.u32  }
0x5: {  	s6 =	srdreg.scid;
	s2 =	simm.s32 $0x0;
	s5 =	smul.u32 $0x9C40, s8  }
0x6: {  	s13 =	simm.s32 $0x0;
	s6 =	sand.u32 $0x1, s6;
	s7 =	smul.u32 $0x2710, s8  }
0x7: {  	[smem:$0x7FF] =	sst s2;
	p0 =	sne.s32 s8, $0x0;
	s9 =	smul.u32 $0x1388, s6  }
0x8: {  	_ =	strace $0x8000004A;
	s28 =	ssub.s32 $0x2, s6;
	s29 =	smul.u32 $0x9C40, s6  }
0x9: {  	s6 =	smul.u32 $0x4E20, s6;
	s10 =	sadd.s32 s5, s3;
	s11 =	sshrl.u32 s28, $0x1  }
0xa: {  	s26 =	sadd.s32 s9, s7;
	s30 =	ssub.s32 s28, s11;
	s4 =	sadd.s32 s4, s29  }
0xb: {  	s31 =	sadd.s32 s6, s10;
	s10 =	sshrl.u32 @!p0 s1, $0x3;
	s5 =	sshrl.u32 s26, $0x3  }
0xc: {  	s6 =	sadd.s32 $0x62F600, s31;
	s7 =	sadd.s32 $0xFE00, s31;
	s12 =	sadd.s32 s5, s3  }
0xd: {  	s11 =	simm.s32 $0x1;
	s3 =	sadd.s32 $0x6CBA00, s3;
	s8 =	sadd.s32 $0x62A600, s12  }
0xe: {  	s5 =	smax.u32 s30, $0x1;
	s9 =	sadd.s32 $0x762E00, s12;
	s12 =	simm.s32 $0x3E8  }
.LBB2_1:
0xf: {  	s14 =	simm.s32 @!p0 $0x1C01  }
0x10: {  	[spmem:s10], [sflag:s14] =	dma.local @!p0 [hbm:s3], $0x9C40  }
0x11: {  	s14 =	simm.s32 @!p0 $0x1  }
0x12: {  	_ =	swait.ge @!p0 [sflag:s14], $0x9C40  }
0x13: {  	[sflag:s14] =	ssyncset.done @!p0 $0x0  }
0x14: {  	[sflag:s14] =	ssyncadd.s32 @!p0 $0xFFFF63C0  }
0x15: {  	s30 =	sadd.s32 $0x0, s9;
	[bflag:$0x0] =	sbarrier.arrive $0xFFFF  }
0x16: {  	[tilespmem:s2], [sflag:$0x1] =	stream.linear.gather [hbm4b:s30+s2], $0x3E8, $0x38;
	[tilespmem:$0xCF08] =	vst v63  }
0x17: {  	_ =	swait.ge [sflag:s11], $0x3E8  }
0x18: {  	[sflag:s11] =	ssyncset.done $0x0  }
0x19: {  	[sflag:s11] =	ssyncadd.s32 $0xFFFFFC18  }
0x1a: {  	[tilespmem:s12], [sflag:$0x1] =	stream.linear.gather [hbm4b:s7+s2], $0x7D00, $0x38;
	[tilespmem:$0xCF08] =	vst v63  }
0x1b: {  	_ =	swait.ge [sflag:s11], $0x7D00  }
0x1c: {  	[sflag:s11] =	ssyncset.done $0x0  }
0x1d: {  	[sflag:s11] =	ssyncadd.s32 $0xFFFF8300  }
0x1e: {  	[spmem:s1] =	stream.indirect.scatter.add.f32 [tilespmem:s12], [sflag:$0x1], $0x20, s2, s12, $0xb8;
	[tilespmem:$0xCF08] =	vst v63  }
0x1f: {  	_ =	swait.ge [sflag:s11], $0x7D00  }
0x20: {  	[sflag:s11] =	ssyncset.done $0x0  }
0x21: {  	s31 =	sadd.s32 $0x0, s8;
	[sflag:s11] =	ssyncadd.s32 $0xFFFF8300  }
0x22: {  	[tilespmem:s2], [sflag:$0x1] =	stream.linear.gather [hbm4b:s31+s2], $0x3E8, $0x38;
	[tilespmem:$0xCF08] =	vst v63  }
0x23: {  	_ =	swait.ge [sflag:s11], $0x3E8  }
0x24: {  	[sflag:s11] =	ssyncset.done $0x0  }
0x25: {  	[sflag:s11] =	ssyncadd.s32 $0xFFFFFC18  }
0x26: {  	[tilespmem:s12], [sflag:$0x1] =	stream.linear.gather [hbm4b:s6+s2], $0x7D00, $0x38;
	[tilespmem:$0xCF08] =	vst v63  }
0x27: {  	_ =	swait.ge [sflag:s11], $0x7D00  }
0x28: {  	[sflag:s11] =	ssyncset.done $0x0  }
0x29: {  	[sflag:s11] =	ssyncadd.s32 $0xFFFF8300  }
0x2a: {  	[spmem:s1] =	stream.indirect.scatter.add.f32 [tilespmem:s12], [sflag:$0x1], $0x20, s2, s12, $0xb8;
	[tilespmem:$0xCF08] =	vst v63  }
0x2b: {  	s15 =	simm.s32 $0x7D;
	s17 =	simm.s32 $0xFA;
	_ =	swait.ge [sflag:s11], $0x7D00  }
0x2c: {  	s16 =	sadd.s32 $0xFA0, s7;
	s14 =	sadd.s32 $0xFA0, s6;
	[sflag:s11] =	ssyncset.done $0x0  }
.LBB2_2:
0x2d: {  	s18 =	sadd.s32 s15, s9  }
0x2e: {  	[sflag:s11] =	ssyncadd.s32 $0xFFFF8300;
	s19 =	smov.u32 s17;
	s20 =	sadd.s32 $0x7D, s17  }
0x2f: {  	[tilespmem:s2], [sflag:$0x1] =	stream.linear.gather [hbm4b:s18+s2], $0x3E8, $0x38;
	[tilespmem:$0xCF08] =	vst v63  }
0x30: {  	p1 =	sne.s32 s17, $0x1F4;
	_ =	swait.ge [sflag:s11], $0x3E8  }
0x31: {  	[sflag:s11] =	ssyncset.done $0x0  }
0x32: {  	[sflag:s11] =	ssyncadd.s32 $0xFFFFFC18  }
0x33: {  	[tilespmem:s12], [sflag:$0x1] =	stream.linear.gather [hbm4b:s16+s2], $0x7D00, $0x38;
	[tilespmem:$0xCF08] =	vst v63  }
0x34: {  	_ =	swait.ge [sflag:s11], $0x7D00  }
0x35: {  	[sflag:s11] =	ssyncset.done $0x0  }
0x36: {  	[sflag:s11] =	ssyncadd.s32 $0xFFFF8300  }
0x37: {  	[spmem:s1] =	stream.indirect.scatter.add.f32 [tilespmem:s12], [sflag:$0x1], $0x20, s2, s12, $0xb8;
	[tilespmem:$0xCF08] =	vst v63  }
0x38: {  	_ =	swait.ge [sflag:s11], $0x7D00  }
0x39: {  	[sflag:s11] =	ssyncset.done $0x0  }
0x3a: {  	s17 =	sadd.s32 s15, s8;
	s15 =	smov.u32 s19;
	[sflag:s11] =	ssyncadd.s32 $0xFFFF8300  }
0x3b: {  	[tilespmem:s2], [sflag:$0x1] =	stream.linear.gather [hbm4b:s17+s2], $0x3E8, $0x38;
	[tilespmem:$0xCF08] =	vst v63  }
0x3c: {  	_ =	swait.ge [sflag:s11], $0x3E8  }
0x3d: {  	[sflag:s11] =	ssyncset.done $0x0  }
0x3e: {  	[sflag:s11] =	ssyncadd.s32 $0xFFFFFC18  }
0x3f: {  	[tilespmem:s12], [sflag:$0x1] =	stream.linear.gather [hbm4b:s14+s2], $0x7D00, $0x38;
	[tilespmem:$0xCF08] =	vst v63  }
0x40: {  	_ =	swait.ge [sflag:s11], $0x7D00  }
.Ltmp0:
0x41: {  	[sflag:s11] =	ssyncset.done $0x0;
	(pc) =	sbr.rel @p1 .LBB2_2-.Ltmp0, $4  }
0x42: {  	[sflag:s11] =	ssyncadd.s32 $0xFFFF8300  }
0x43: {  	[spmem:s1] =	stream.indirect.scatter.add.f32 [tilespmem:s12], [sflag:$0x1], $0x20, s2, s12, $0xb8;
	[tilespmem:$0xCF08] =	vst v63  }
0x44: {  	s16 =	sadd.s32 $0xFA0, s16;
	_ =	swait.ge [sflag:s11], $0x7D00  }
0x45: {  	s17 =	smov.u32 s20;
	s14 =	sadd.s32 $0xFA0, s14;
	[sflag:s11] =	ssyncset.done $0x0  }
0x46: {  	s17 =	sadd.s32 s15, s9;
	[sflag:s11] =	ssyncadd.s32 $0xFFFF8300  }
0x47: {  	[tilespmem:s2], [sflag:$0x1] =	stream.linear.gather [hbm4b:s17+s2], $0x3E8, $0x38;
	[tilespmem:$0xCF08] =	vst v63  }
0x48: {  	_ =	swait.ge [sflag:s11], $0x3E8  }
0x49: {  	[sflag:s11] =	ssyncset.done $0x0  }
0x4a: {  	[sflag:s11] =	ssyncadd.s32 $0xFFFFFC18  }
0x4b: {  	[tilespmem:s12], [sflag:$0x1] =	stream.linear.gather [hbm4b:s16+s2], $0x7D00, $0x38;
	[tilespmem:$0xCF08] =	vst v63  }
0x4c: {  	_ =	swait.ge [sflag:s11], $0x7D00  }
0x4d: {  	[sflag:s11] =	ssyncset.done $0x0  }
0x4e: {  	[sflag:s11] =	ssyncadd.s32 $0xFFFF8300  }
0x4f: {  	[spmem:s1] =	stream.indirect.scatter.add.f32 [tilespmem:s12], [sflag:$0x1], $0x20, s2, s12, $0xb8;
	[tilespmem:$0xCF08] =	vst v63  }
0x50: {  	_ =	swait.ge [sflag:s11], $0x7D00  }
0x51: {  	[sflag:s11] =	ssyncset.done $0x0  }
0x52: {  	s31 =	sadd.s32 s15, s8;
	[sflag:s11] =	ssyncadd.s32 $0xFFFF8300  }
0x53: {  	[tilespmem:s2], [sflag:$0x1] =	stream.linear.gather [hbm4b:s31+s2], $0x3E8, $0x38;
	[tilespmem:$0xCF08] =	vst v63  }
0x54: {  	_ =	swait.ge [sflag:s11], $0x3E8  }
0x55: {  	[sflag:s11] =	ssyncset.done $0x0  }
0x56: {  	[sflag:s11] =	ssyncadd.s32 $0xFFFFFC18  }
0x57: {  	[tilespmem:s12], [sflag:$0x1] =	stream.linear.gather [hbm4b:s14+s2], $0x7D00, $0x38;
	[tilespmem:$0xCF08] =	vst v63  }
0x58: {  	_ =	swait.ge [sflag:s11], $0x7D00  }
0x59: {  	[sflag:s11] =	ssyncset.done $0x0  }
0x5a: {  	[sflag:s11] =	ssyncadd.s32 $0xFFFF8300  }
0x5b: {  	[spmem:s1] =	stream.indirect.scatter.add.f32 [tilespmem:s12], [sflag:$0x1], $0x20, s2, s12, $0xb8;
	[tilespmem:$0xCF08] =	vst v63  }
0x5c: {  	_ =	swait.ge [sflag:s11], $0x7D00  }
0x5d: {  	[sflag:s11] =	ssyncset.done $0x0  }
0x5e: {  	s13 =	sadd.s32 $0x1, s13;
	[sflag:s11] =	ssyncadd.s32 $0xFFFF8300  }
0x5f: {  	p1 =	sne.s32 s13, s5;
	s14 =	simm.s32 @!p0 $0x1C01;
	[bflag:$0x0] =	sbarrier.arrive $0xFFFF  }
0x60: {  	[hbm:s4], [sflag:s14] =	dma.local @!p0 [spmem:s10], $0x9C40  }
.Ltmp1:
0x61: {  	_ = 	snop;
	(pc) =	sbr.rel @p1 .LBB2_1-.Ltmp1, $4  }
0x62: {  	s14 =	simm.s32 @!p0 $0x1  }
0x63: {  	_ =	swait.ge @!p0 [sflag:s14], $0x9C40  }
0x64: {  	[sflag:s14] =	ssyncset.done @!p0 $0x0  }
0x65: {  	[sflag:s14] =	ssyncadd.s32 @!p0 $0xFFFF63C0  }
0x66: {  	_ =	sfence.sel $0x180000  }
0x67: {  	[bflag:$0x0] =	sbarrier.arrive $0xFFFF  }
0x68: {  	_ =	strace $0x9000004A  }
0x69: {  	s0 =	sadd.s32 @!p0 $0x100000, s0;
	[bflag:$0x2] =	sbarrier.arrive $0xFFFF  }
0x6a: {  	[sflag:s0] =	ssyncadd.tile.s32 @!p0 $0x1;
	_ =	shalt  }
.Lfunc_end2:
_tile_overlayer_lowered:
.L_overlay_start_2:
0x6b: {  	(tag) =	ssettag $0x2  }
0x6c: {  	s0 =	rddreg [dreg:$0x0];
	s2 =	stileid.u32  }
0x6d: {  	s1 =	rddreg [dreg:$0x1];
	p0 =	sne.s32 s2, $0x0  }
0x6e: {  	s3 =	rddreg [dreg:$0x2];
	[bflag:$0x3] =	sbarrier.arrive $0xFFFF;
	s2 =	simm.s32 @!p0 $0x1C01  }
0x6f: {  	[timem:s3], [sflag:s2] =	dma.local @!p0 [hbm:s0], s1  }
0x70: {  	s0 =	simm.s32 @!p0 $0x1  }
0x71: {  	_ =	swait.ge @!p0 [sflag:s0], s1  }
0x72: {  	s1 =	ssub.s32 @!p0 $0x0, s1;
	[sflag:s0] =	ssyncset.done @!p0 $0x0  }
0x73: {  	[sflag:s0] =	ssyncadd.s32 @!p0 s1  }
0x74: {  	[bflag:$0x3] =	sbarrier.arrive $0xFFFF  }
0x75: {  	_ =	shalt  }

// kernel: kernel.18.cloned.1.call-start
scs
__scs_entry_jumppad:
0x0: {  	(pc) =	sbr.rel $0x88, $3  }
0x1: {  	(tag) =	ssettag $0x0;
	lr =	simm.s32 $0x1  }
0x2: {  	[smem:$0x3F8A] =	sst lr;
	_ =	strace $0xD0000000  }
0x3: {  	_ = 	snop  }
0x4: {  	_ = 	snop  }
0x5: {  	_ = 	snop  }
0x6: {  	_ = 	snop  }
0x7: {  	_ = 	snop  }
__scs_overlays_trampoline_lowered:
0x8: {  	[smem:$0x3F99] =	sst s0  }
0x9: {  	[smem:$0x3F9A] =	sst s1  }
0xa: {  	[smem:$0x3F9B] =	sst s2  }
0xb: {  	[smem:$0x3F9C] =	sst s3  }
0xc: {  	[smem:$0x3F9D] =	sst s4  }
0xd: {  	[smem:$0x3F9E] =	sst s5  }
0xe: {  	[smem:$0x3F9F] =	sst s6  }
0xf: {  	[smem:$0x3FA0] =	sst s7  }
0x10: {  	[smem:$0x3FA1] =	sst s8  }
0x11: {  	[smem:$0x3FA2] =	sst s9;
	s0 =	simm.s32 @!p0 $0x0  }
0x12: {  	s1 =	sld [smem:$0x3F88];
	s0 =	simm.s32 @p0 $0x1  }
0x13: {  	[smem:$0x3FA3] =	sst s0;
	s0 =	simm.s32 @!p1 $0x0  }
0x14: {  	s2 =	sld [smem:$0x3F87];
	s0 =	simm.s32 @p1 $0x1  }
0x15: {  	[smem:$0x3FA4] =	sst s0;
	s0 =	simm.s32 @!p2 $0x0  }
0x16: {  	s3 =	sld [smem:$0x3FDB];
	s0 =	simm.s32 @p2 $0x1  }
0x17: {  	s4 =	simm.s32 $0x1BF5;
	[smem:$0x3FA6] =	sst s0  }
0x18: {  	s0 =	sld [smem:$0x3F89];
	_ =	swait.ge [sflag:s4], $0x0  }
0x19: {  	s7 =	sld [smem:$0x3F8A]  }
0x1a: {  	s8 =	sadd.s32 $0xFFFFE003, lr  }
0x1b: {  	s9 =	sadd.s32 $0xFFFFFEF7, lr;
	s5 =	simm.s32 $0xFFFFFFFF;
	p2 =	slt.u32 s8, $0xFFFFF086  }
0x1c: {  	p1 =	slt.u32 s9, $0xF7A;
	s5 =	simm.s32 @!p2 $0x0  }
0x1d: {  	s5 =	simm.s32 @p1 $0x1;
	p0 =	seq.s32 s7, s2  }
0x1e: {  	s7 =	smul.u32 @!p0 $0xF7A, s2;
	p2 =	seq.s32 @!p0 s5, $0x0  }
0x1f: {  	s9 =	smul.u32 $0xF7A, s1;
	s8 =	simm.s32 @!p0 $0x1BF5;
	p2 =	por !p2, p0  }
0x20: {  	[sflag:s8] =	ssyncset.s32 @!p0 $0xFFFFF086;
	s6 =	sadd.s32 @!p0 s3, s7;
	s7 =	simm.s32 @!p0 $0x108  }
0x21: {  	s3 =	sadd.s32 s3, s9;
	s6 =	sadd.s32 @!p0 $0x88, s6;
	s7 =	simm.s32 @p2 $0x1082  }
0x22: {  	[simem:s7], [sflag:s8] =	dma.local @!p0 [hbm:s6], $0xF7A  }
0x23: {  	s9 =	sor.u32 $0xD0000000, s2;
	s6 =	simm.s32 $0x108;
	_ =	swait.ge @!p0 [sflag:s8], $0x0  }
0x24: {  	s3 =	sadd.s32 $0x88, s3;
	s6 =	simm.s32 @!p1 $0x1082;
	[sflag:s4] =	ssyncset.s32 $0xFFFFF086  }
0x25: {  	[simem:s6], [sflag:s4] =	dma.local [hbm:s3], $0xF7A  }
0x26: {  	[smem:$0x3F8A] =	sst s1;
	(tag) =	ssettag s2;
	_ =	strace s9  }
0x27: {  	s1 =	sld [smem:$0x3F9A]  }
0x28: {  	s2 =	sld [smem:$0x3F9B]  }
0x29: {  	s4 =	sld [smem:$0x3F9D]  }
0x2a: {  	p0 =	seq.s32 s5, $0x0;
	s5 =	sld [smem:$0x3F9E]  }
0x2b: {  	s6 =	sld [smem:$0x3F9F]  }
0x2c: {  	s7 =	sld [smem:$0x3FA0]  }
0x2d: {  	s3 =	simm.s32 $0x108;
	s8 =	sld [smem:$0x3FA1]  }
0x2e: {  	s3 =	simm.s32 @!p0 $0x1082;
	s9 =	sld [smem:$0x3FA2]  }
0x2f: {  	lr =	sadd.s32 s0, s3;
	s0 =	sld [smem:$0x3F99]  }
0x30: {  	s3 =	sld [smem:$0x3F9C]  }
0x31: {  	[smem:$0x3FA5] =	sst s10  }
0x32: {  	s10 =	sld [smem:$0x3FA3];
	_ =	sdelay $0x3  }
0x33: {  	p0 =	seq.s32 s10, $0x1;
	s10 =	sld [smem:$0x3FA5];
	_ =	sdelay $0x3  }
0x34: {  	[smem:$0x3FA5] =	sst s10  }
0x35: {  	s10 =	sld [smem:$0x3FA4];
	_ =	sdelay $0x3  }
0x36: {  	p1 =	seq.s32 s10, $0x1;
	s10 =	sld [smem:$0x3FA5];
	_ =	sdelay $0x3  }
0x37: {  	[smem:$0x3FA5] =	sst s10  }
0x38: {  	s10 =	sld [smem:$0x3FA6]  }
0x39: {  	_ = 	snop;
	(pc) =	sbr.ind lr, $3  }
0x3a: {  	_ = 	snop  }
0x3b: {  	_ = 	snop  }
0x3c: {  	p2 =	seq.s32 s10, $0x1;
	s10 =	sld [smem:$0x3FA5]  }
0x3d: {  	_ =	shalt  }
0x3e: {  	_ =	shalt  }
0x3f: {  	_ =	shalt  }
0x40: {  	_ =	shalt  }
0x41: {  	_ =	shalt  }
0x42: {  	_ =	shalt  }
0x43: {  	_ =	shalt  }
0x44: {  	_ =	shalt  }
0x45: {  	_ =	shalt  }
0x46: {  	_ =	shalt  }
0x47: {  	_ =	shalt  }
0x48: {  	_ =	shalt  }
0x49: {  	_ =	shalt  }
0x4a: {  	_ =	shalt  }
0x4b: {  	_ =	shalt  }
0x4c: {  	_ =	shalt  }
0x4d: {  	_ =	shalt  }
0x4e: {  	_ =	shalt  }
0x4f: {  	_ =	shalt  }
0x50: {  	_ =	shalt  }
0x51: {  	_ =	shalt  }
0x52: {  	_ =	shalt  }
0x53: {  	_ =	shalt  }
0x54: {  	_ =	shalt  }
0x55: {  	_ =	shalt  }
0x56: {  	_ =	shalt  }
0x57: {  	_ =	shalt  }
0x58: {  	_ =	shalt  }
0x59: {  	_ =	shalt  }
0x5a: {  	_ =	shalt  }
0x5b: {  	_ =	shalt  }
0x5c: {  	_ =	shalt  }
0x5d: {  	_ =	shalt  }
0x5e: {  	_ =	shalt  }
0x5f: {  	_ =	shalt  }
0x60: {  	_ =	shalt  }
0x61: {  	_ =	shalt  }
0x62: {  	_ =	shalt  }
0x63: {  	_ =	shalt  }
0x64: {  	_ =	shalt  }
0x65: {  	_ =	shalt  }
0x66: {  	_ =	shalt  }
0x67: {  	_ =	shalt  }
0x68: {  	_ =	shalt  }
0x69: {  	_ =	shalt  }
0x6a: {  	_ =	shalt  }
0x6b: {  	_ =	shalt  }
0x6c: {  	_ =	shalt  }
0x6d: {  	_ =	shalt  }
0x6e: {  	_ =	shalt  }
0x6f: {  	_ =	shalt  }
0x70: {  	_ =	shalt  }
0x71: {  	_ =	shalt  }
0x72: {  	_ =	shalt  }
0x73: {  	_ =	shalt  }
0x74: {  	_ =	shalt  }
0x75: {  	_ =	shalt  }
0x76: {  	_ =	shalt  }
0x77: {  	_ =	shalt  }
0x78: {  	_ =	shalt  }
0x79: {  	_ =	shalt  }
0x7a: {  	_ =	shalt  }
0x7b: {  	_ =	shalt  }
0x7c: {  	_ =	shalt  }
0x7d: {  	_ =	shalt  }
0x7e: {  	_ =	shalt  }
0x7f: {  	_ =	shalt  }
0x80: {  	_ =	shalt  }
0x81: {  	_ =	shalt  }
0x82: {  	_ =	shalt  }
0x83: {  	_ =	shalt  }
0x84: {  	_ =	shalt  }
0x85: {  	_ =	shalt  }
0x86: {  	_ =	shalt  }
0x87: {  	_ =	shalt  }
.Lfunc_end0:
.L_simem_size_0:
called_computation.2_lowered:
.L_overlay_start_0:
0x88: {  	s2 =	sld [smem:$0x3FD9]  }
0x89: {  	s3 =	sld [smem:$0x3FFE];
	_ =	sdelay $0x1  }
0x8a: {  	s1 =	srdreg.scid  }
0x8b: {  	s0 =	sand.u32 $0x1, s1  }
0x8c: {  	s17 =	sshll.u32 s0, $0xA;
	s2 =	sadd.s32 s3, s2  }
0x8d: {  	s2 =	sadd.s32 s2, s17  }
0x8e: {  	[smem:$0x3FB1] =	sst s2  }
0x8f: {  	_ = 	snop  }
0x90: {  	s18 =	sld [smem:$0x3FD0];
	(tm) =	ssettm $0x1  }
0x91: {  	s19 =	sld [smem:$0x3FFB];
	_ =	sdelay $0x3  }
0x92: {  	_ =	strace s19  }
0x93: {  	s2 =	sld [smem:$0x3FFC];
	_ =	sdelay $0x3  }
0x94: {  	_ =	strace s2  }
0x95: {  	s2 =	sld [smem:$0x3FFD];
	_ =	sdelay $0x3  }
0x96: {  	_ =	strace s2  }
0x97: {  	_ =	strace $0x8FFFFFFF  }
0x98: {  	s20 =	sld [smem:$0x3FDB];
	_ =	sdelay $0x1  }
0x99: {  	s4 =	simm.s32 $_scs_section_size  }
0x9a: {  	s5 =	simm.s32 $_size__tile_overlayer_lowered;
	s6 =	simm.s32 $_tile_overlayer_lowered  }
0x9b: {  	s7 =	simm.s32 $0x1BFF;
	s21 =	sshll.u32 s6, $0x1;
	s4 =	sadd.s32 s4, s20  }
0x9c: {  	s22 =	simm.s32 $0x0;
	s5 =	sshll.u32 s5, $0x1;
	s6 =	sadd.s32 s21, s4  }
0x9d: {  	[timem:s22], [sflag:s7] =	dma.local [hbm:s6], s5  }
0x9e: {  	_ =	swait.ge [sflag:s7], s5  }
0x9f: {  	s5 =	ssub.s32 $0x0, s5;
	[sflag:s7] =	ssyncset.done $0x0  }
0xa0: {  	[sflag:s7] =	ssyncadd.s32 s5;
	_ =	sdelay $0x1  }
0xa1: {  	s23 =	simm.s32 $0x1B8B  }
0xa2: {  	_ =	swait.ge [sflag:s23], $0x1  }
0xa3: {  	[sflag:s23] =	ssyncset.done $0x0  }
0xa4: {  	[sflag:s23] =	ssyncadd.s32 $0xFFFFFFFF  }
0xa5: {  	s5 =	sld [smem:$0x0]  }
0xa6: {  	s6 =	sand.u32 $0xFFFFFFFE, s1  }
0xa7: {  	p0 =	sne.s32 s1, s6  }
0xa8: {  	s6 =	sshll.u32 @p0 s6, $0xE  }
0xa9: {  	s6 =	sadd.s32 @p0 $0x11B8D, s6;
	s7 =	sshll.u32 @p0 s5, $0x11  }
0xaa: {  	s6 =	sor.u32 @p0 s7, s6  }
0xab: {  	[sflag:s6] =	ssyncadd.remote.s32 @p0 $0x1;
	_ =	sdelay $0x1  }
0xac: {  	s6 =	simm.s32 @p0 $0x1B8D  }
0xad: {  	_ =	swait.eq @p0 [sflag:s6], $0x1  }
0xae: {  	[sflag:s6] =	ssyncadd.s32 @p0 $0xFFFFFFFF  }
0xaf: {  	s7 =	sshll.u32 @!p0 s1, $0xE  }
0xb0: {  	s7 =	sor.u32 @!p0 $0x4000, s7;
	s6 =	simm.s32 @!p0 $0x1B8D  }
0xb1: {  	s5 =	sshll.u32 @!p0 s5, $0x11;
	s7 =	sadd.s32 @!p0 $0x11B8D, s7;
	_ =	swait.eq @!p0 [sflag:s6], $0x1  }
0xb2: {  	s5 =	sor.u32 @!p0 s5, s7;
	[sflag:s6] =	ssyncadd.s32 @!p0 $0xFFFFFFFF  }
0xb3: {  	s25 =	simm.s32 $0x1B8E;
	s24 =	sld [smem:$0x3FFE];
	[sflag:s5] =	ssyncadd.remote.s32 @!p0 $0x1  }
0xb4: {  	s26 =	simm.s32 $execute0_lowered;
	[smem:$0x3FD2] =	sst s25  }
0xb5: {  	s6 =	sshll.u32 s26, $0x1;
	_ =	strace $0x8000004F;
	[dreg:$0x1] =	wrdreg $0xFFFFFFFF  }
0xb6: {  	s28 =	simm.s32 $_size_execute0_lowered;
	s4 =	sadd.s32 s4, s6;
	[dreg:$0x0] =	wrdreg $0x0  }
0xb7: {  	s6 =	sshll.u32 s28, $0x1;
	[dreg:$0x2] =	wrdreg s4  }
0xb8: {  	[dreg:$0x3] =	wrdreg s6  }
0xb9: {  	[dreg:$0x4] =	wrdreg $0xC0  }
0xba: {  	_ =	task [dreg:s22], $0x5FFFF  }
0xbb: {  	[dreg:$0x1] =	wrdreg $0xFFFFFFFF  }
0xbc: {  	[dreg:$0x0] =	wrdreg $0x60  }
0xbd: {  	[dreg:$0x2] =	wrdreg s24  }
0xbe: {  	[dreg:$0x3] =	wrdreg s18  }
0xbf: {  	[dreg:$0x4] =	wrdreg $0x9  }
0xc0: {  	_ =	task.clear_ibuf [dreg:s22], $0x5FFFF;
	_ =	strace $0x9000004F  }
0xc1: {  	s29 =	simm.s32 $0x9;
	_ =	strace $0x80000051  }
0xc2: {  	_ =	swait.ge [sflag:s29], $0x1  }
0xc3: {  	[sflag:s29] =	ssyncadd.s32 $0xFFFFFFFF  }
0xc4: {  	_ =	strace $0x90000051  }
0xc5: {  	_ =	sfence  }
0xc6: {  	s30 =	sld [smem:$0x0];
	_ =	sdelay $0x2  }
0xc7: {  	s31 =	sshll.u32 s1, $0xD;
	s1 =	sshrl.u32 s1, $0x2  }
0xc8: {  	s4 =	sand.u32 $0x4000, s31;
	s1 =	sadd.s32 s1, s30  }
0xc9: {  	s0 =	sor.u32 s4, s0;
	s1 =	sshll.u32 s1, $0x11  }
0xca: {  	s0 =	sor.u32 s1, s0  }
0xcb: {  	s0 =	sadd.s32 $0x8F2B, s0  }
0xcc: {  	[sflag:s0] =	ssyncadd.remote.s32 $0x1  }
0xcd: {  	_ =	sfence.sel $0xFFFF  }
0xce: {  	[dreg:$0x0] =	wrdreg $0xFFFFFFFF;
	(pc) =	sbr.abs _section_cstart, $3  }
0xcf: {  	[dreg:$0x1] =	wrdreg $0xFFFFFFFF  }
0xd0: {  	_ =	task.clear_ibuf [dreg:s22], $0x2FFFF;
	_ =	strace $0x9FFFFFFF  }
0xd1: {  	(tm) =	ssettm $0x7FFFFFFF  }
tec
execute0_lowered:
.L_overlay_start_1:
0x0: {  	(tag) =	ssettag $0x1  }
0x1: {  	s4 =	rddreg [dreg:$0x0]  }
0x2: {  	s7 =	rddreg [dreg:$0x1]  }
0x3: {  	s0 =	rddreg [dreg:$0x2];
	s2 =	simm.s32 $0x0;
	s1 =	stileid.u32  }
0x4: {  	s3 =	srdreg.scid;
	s12 =	simm.s32 $0x1;
	s6 =	smul.u32 $0x2710, s1  }
0x5: {  	s13 =	simm.s32 $0x0;
	s5 =	sand.u32 $0x1, s3;
	s9 =	smul.u32 $0x27100, s1  }
0x6: {  	[smem:$0x7FF] =	sst s2;
	s3 =	sadd.s32 $0xB000, s4;
	s8 =	smul.u32 $0x1388, s5  }
0x7: {  	_ =	strace $0x80000050;
	s10 =	ssub.s32 $0x2, s5;
	s5 =	smul.u32 $0x13880, s5  }
0x8: {  	s29 =	sshrl.u32 s10, $0x1;
	s30 =	sadd.s32 s9, s4;
	s6 =	sadd.s32 s8, s6  }
0x9: {  	s9 =	simm.s32 $0x2;
	s8 =	ssub.s32 s10, s29;
	s11 =	sshrl.u32 s6, $0x3  }
0xa: {  	s10 =	simm.s32 $0x3E8;
	s6 =	sadd.s32 s5, s30;
	s31 =	sadd.s32 s11, s4  }
0xb: {  	s4 =	smax.u32 s8, $0x1;
	s5 =	sadd.s32 $0xE2D800, s6;
	s6 =	sadd.s32 $0xBBC800, s6  }
0xc: {  	s7 =	sadd.s32 s11, s7;
	s11 =	simm.s32 $0x7D0;
	s8 =	sadd.s32 $0x32200, s31  }
.LBB2_1:
0xd: {  	s14 =	sadd.s32 $0x0, s8  }
0xe: {  	[tilespmem:s2], [sflag:$0x2] =	stream.linear.gather [hbm4b:s14+s2], $0x3E8, $0x38;
	[tilespmem:$0x1FBD0] =	vst v63  }
0xf: {  	_ =	swait.ge [sflag:s9], $0x3E8  }
0x10: {  	[sflag:s9] =	ssyncset.done $0x0  }
0x11: {  	s31 =	sadd.s32 $0x0, s7;
	[sflag:s9] =	ssyncadd.s32 $0xFFFFFC18  }
0x12: {  	[tilespmem:s10], [sflag:$0x2] =	stream.linear.gather [hbm4b:s31+s2], $0x3E8, $0x38;
	[tilespmem:$0x1FBD0] =	vst v63  }
0x13: {  	_ =	swait.ge [sflag:s9], $0x3E8  }
0x14: {  	[sflag:s9] =	ssyncset.done $0x0  }
0x15: {  	[sflag:s9] =	ssyncadd.s32 $0xFFFFFC18  }
0x16: {  	[tilespmem:s11], [sflag:$0x1] =	stream.indirect.gather [hbm4b:s3+s10], $0x80, s2, s10, $0xb8;
	[tilespmem:$0x1FBD0] =	vst v63  }
0x17: {  	_ =	swait.ge [sflag:s12], $0x1F400  }
0x18: {  	[sflag:s12] =	ssyncset.done $0x0  }
0x19: {  	[sflag:s12] =	ssyncadd.s32 $0xFFFE0C00  }
0x1a: {  	[hbm4b:s6+s2] =	stream.linear.scatter [tilespmem:s11], [sflag:$0x2], $0x1F400, $0x38;
	[tilespmem:$0x1FBD0] =	vst v63  }
0x1b: {  	_ =	swait.ge [sflag:s9], $0x1F400  }
0x1c: {  	[sflag:s9] =	ssyncset.done $0x0  }
0x1d: {  	[sflag:s9] =	ssyncadd.s32 $0xFFFE0C00  }
0x1e: {  	[tilespmem:s11], [sflag:$0x1] =	stream.indirect.gather [hbm4b:s3+s10], $0x80, s10, s10, $0xb8;
	[tilespmem:$0x1FBD0] =	vst v63  }
0x1f: {  	_ =	swait.ge [sflag:s12], $0x1F400  }
0x20: {  	[sflag:s12] =	ssyncset.done $0x0  }
0x21: {  	[sflag:s12] =	ssyncadd.s32 $0xFFFE0C00  }
0x22: {  	[hbm4b:s5+s2] =	stream.linear.scatter [tilespmem:s11], [sflag:$0x2], $0x1F400, $0x38;
	[tilespmem:$0x1FBD0] =	vst v63  }
0x23: {  	s16 =	simm.s32 $0x7D;
	s17 =	simm.s32 $0xFA;
	_ =	swait.ge [sflag:s9], $0x1F400  }
0x24: {  	s15 =	sadd.s32 $0x3E80, s6;
	s14 =	sadd.s32 $0x3E80, s5;
	[sflag:s9] =	ssyncset.done $0x0  }
.LBB2_2:
0x25: {  	s18 =	sadd.s32 s16, s8  }
0x26: {  	[sflag:s9] =	ssyncadd.s32 $0xFFFE0C00;
	s19 =	smov.u32 s17;
	s20 =	sadd.s32 $0x7D, s17  }
0x27: {  	[tilespmem:s2], [sflag:$0x2] =	stream.linear.gather [hbm4b:s18+s2], $0x3E8, $0x38;
	[tilespmem:$0x1FBD0] =	vst v63  }
0x28: {  	p0 =	sne.s32 s17, $0x1F4;
	_ =	swait.ge [sflag:s9], $0x3E8  }
0x29: {  	[sflag:s9] =	ssyncset.done $0x0  }
0x2a: {  	s17 =	sadd.s32 s16, s7;
	s16 =	smov.u32 s19;
	[sflag:s9] =	ssyncadd.s32 $0xFFFFFC18  }
0x2b: {  	[tilespmem:s10], [sflag:$0x2] =	stream.linear.gather [hbm4b:s17+s2], $0x3E8, $0x38;
	[tilespmem:$0x1FBD0] =	vst v63  }
0x2c: {  	_ =	swait.ge [sflag:s9], $0x3E8  }
0x2d: {  	[sflag:s9] =	ssyncset.done $0x0  }
0x2e: {  	[sflag:s9] =	ssyncadd.s32 $0xFFFFFC18  }
0x2f: {  	[tilespmem:s11], [sflag:$0x1] =	stream.indirect.gather [hbm4b:s3+s10], $0x80, s2, s10, $0xb8;
	[tilespmem:$0x1FBD0] =	vst v63  }
0x30: {  	_ =	swait.ge [sflag:s12], $0x1F400  }
0x31: {  	[sflag:s12] =	ssyncset.done $0x0  }
0x32: {  	[sflag:s12] =	ssyncadd.s32 $0xFFFE0C00  }
0x33: {  	[hbm4b:s15+s2] =	stream.linear.scatter [tilespmem:s11], [sflag:$0x2], $0x1F400, $0x38;
	[tilespmem:$0x1FBD0] =	vst v63  }
0x34: {  	_ =	swait.ge [sflag:s9], $0x1F400  }
0x35: {  	[sflag:s9] =	ssyncset.done $0x0  }
0x36: {  	[sflag:s9] =	ssyncadd.s32 $0xFFFE0C00  }
0x37: {  	[tilespmem:s11], [sflag:$0x1] =	stream.indirect.gather [hbm4b:s3+s10], $0x80, s10, s10, $0xb8;
	[tilespmem:$0x1FBD0] =	vst v63  }
0x38: {  	_ =	swait.ge [sflag:s12], $0x1F400  }
.Ltmp0:
0x39: {  	[sflag:s12] =	ssyncset.done $0x0;
	(pc) =	sbr.rel @p0 .LBB2_2-.Ltmp0, $4  }
0x3a: {  	[sflag:s12] =	ssyncadd.s32 $0xFFFE0C00  }
0x3b: {  	[hbm4b:s14+s2] =	stream.linear.scatter [tilespmem:s11], [sflag:$0x2], $0x1F400, $0x38;
	[tilespmem:$0x1FBD0] =	vst v63  }
0x3c: {  	s17 =	smov.u32 s20;
	_ =	swait.ge [sflag:s9], $0x1F400  }
0x3d: {  	s15 =	sadd.s32 $0x3E80, s15;
	s14 =	sadd.s32 $0x3E80, s14;
	[sflag:s9] =	ssyncset.done $0x0  }
0x3e: {  	s17 =	sadd.s32 s16, s8;
	[sflag:s9] =	ssyncadd.s32 $0xFFFE0C00  }
0x3f: {  	[tilespmem:s2], [sflag:$0x2] =	stream.linear.gather [hbm4b:s17+s2], $0x3E8, $0x38;
	[tilespmem:$0x1FBD0] =	vst v63  }
0x40: {  	_ =	swait.ge [sflag:s9], $0x3E8  }
0x41: {  	[sflag:s9] =	ssyncset.done $0x0  }
0x42: {  	s31 =	sadd.s32 s16, s7;
	[sflag:s9] =	ssyncadd.s32 $0xFFFFFC18  }
0x43: {  	[tilespmem:s10], [sflag:$0x2] =	stream.linear.gather [hbm4b:s31+s2], $0x3E8, $0x38;
	[tilespmem:$0x1FBD0] =	vst v63  }
0x44: {  	_ =	swait.ge [sflag:s9], $0x3E8  }
0x45: {  	[sflag:s9] =	ssyncset.done $0x0  }
0x46: {  	[sflag:s9] =	ssyncadd.s32 $0xFFFFFC18  }
0x47: {  	[tilespmem:s11], [sflag:$0x1] =	stream.indirect.gather [hbm4b:s3+s10], $0x80, s2, s10, $0xb8;
	[tilespmem:$0x1FBD0] =	vst v63  }
0x48: {  	_ =	swait.ge [sflag:s12], $0x1F400  }
0x49: {  	[sflag:s12] =	ssyncset.done $0x0  }
0x4a: {  	[sflag:s12] =	ssyncadd.s32 $0xFFFE0C00  }
0x4b: {  	[hbm4b:s15+s2] =	stream.linear.scatter [tilespmem:s11], [sflag:$0x2], $0x1F400, $0x38;
	[tilespmem:$0x1FBD0] =	vst v63  }
0x4c: {  	_ =	swait.ge [sflag:s9], $0x1F400  }
0x4d: {  	[sflag:s9] =	ssyncset.done $0x0  }
0x4e: {  	[sflag:s9] =	ssyncadd.s32 $0xFFFE0C00  }
0x4f: {  	[tilespmem:s11], [sflag:$0x1] =	stream.indirect.gather [hbm4b:s3+s10], $0x80, s10, s10, $0xb8;
	[tilespmem:$0x1FBD0] =	vst v63  }
0x50: {  	s13 =	sadd.s32 $0x1, s13;
	_ =	swait.ge [sflag:s12], $0x1F400  }
0x51: {  	p0 =	sne.s32 s13, s4;
	[sflag:s12] =	ssyncset.done $0x0  }
.Ltmp1:
0x52: {  	[sflag:s12] =	ssyncadd.s32 $0xFFFE0C00;
	(pc) =	sbr.rel @p0 .LBB2_1-.Ltmp1, $4  }
0x53: {  	[hbm4b:s14+s2] =	stream.linear.scatter [tilespmem:s11], [sflag:$0x2], $0x1F400, $0x38;
	[tilespmem:$0x1FBD0] =	vst v63  }
0x54: {  	_ =	swait.ge [sflag:s9], $0x1F400  }
0x55: {  	[sflag:s9] =	ssyncset.done $0x0  }
0x56: {  	[sflag:s9] =	ssyncadd.s32 $0xFFFE0C00  }
0x57: {  	_ =	sfence.sel $0x180000  }
0x58: {  	[bflag:$0x0] =	sbarrier.arrive $0xFFFF  }
0x59: {  	p0 =	sne.s32 s1, $0x0;
	_ =	strace $0x90000050  }
0x5a: {  	s0 =	sadd.s32 @!p0 $0x100000, s0;
	[bflag:$0x2] =	sbarrier.arrive $0xFFFF  }
0x5b: {  	[sflag:s0] =	ssyncadd.tile.s32 @!p0 $0x1;
	_ =	shalt  }
.Lfunc_end2:
_tile_overlayer_lowered:
.L_overlay_start_2:
0x5c: {  	(tag) =	ssettag $0x2  }
0x5d: {  	s0 =	rddreg [dreg:$0x0];
	s2 =	stileid.u32  }
0x5e: {  	s1 =	rddreg [dreg:$0x1];
	p0 =	sne.s32 s2, $0x0  }
0x5f: {  	s3 =	rddreg [dreg:$0x2];
	[bflag:$0x3] =	sbarrier.arrive $0xFFFF;
	s2 =	simm.s32 @!p0 $0x1C02  }
0x60: {  	[timem:s3], [sflag:s2] =	dma.local @!p0 [hbm:s0], s1  }
0x61: {  	s0 =	simm.s32 @!p0 $0x2  }
0x62: {  	_ =	swait.ge @!p0 [sflag:s0], s1  }
0x63: {  	s1 =	ssub.s32 @!p0 $0x0, s1;
	[sflag:s0] =	ssyncset.done @!p0 $0x0  }
0x64: {  	[sflag:s0] =	ssyncadd.s32 @!p0 s1  }
0x65: {  	[bflag:$0x3] =	sbarrier.arrive $0xFFFF  }
0x66: {  	_ =	shalt  }

// kernel: kernel.21.cloned.1.call-start
scs
__scs_entry_jumppad:
0x0: {  	(pc) =	sbr.rel $0x88, $3  }
0x1: {  	(tag) =	ssettag $0x0;
	lr =	simm.s32 $0x1  }
0x2: {  	[smem:$0x3F8A] =	sst lr;
	_ =	strace $0xD0000000  }
0x3: {  	_ = 	snop  }
0x4: {  	_ = 	snop  }
0x5: {  	_ = 	snop  }
0x6: {  	_ = 	snop  }
0x7: {  	_ = 	snop  }
__scs_overlays_trampoline_lowered:
0x8: {  	[smem:$0x3F99] =	sst s0  }
0x9: {  	[smem:$0x3F9A] =	sst s1  }
0xa: {  	[smem:$0x3F9B] =	sst s2  }
0xb: {  	[smem:$0x3F9C] =	sst s3  }
0xc: {  	[smem:$0x3F9D] =	sst s4  }
0xd: {  	[smem:$0x3F9E] =	sst s5  }
0xe: {  	[smem:$0x3F9F] =	sst s6  }
0xf: {  	[smem:$0x3FA0] =	sst s7  }
0x10: {  	[smem:$0x3FA1] =	sst s8  }
0x11: {  	[smem:$0x3FA2] =	sst s9;
	s0 =	simm.s32 @!p0 $0x0  }
0x12: {  	s1 =	sld [smem:$0x3F88];
	s0 =	simm.s32 @p0 $0x1  }
0x13: {  	[smem:$0x3FA3] =	sst s0;
	s0 =	simm.s32 @!p1 $0x0  }
0x14: {  	s2 =	sld [smem:$0x3F87];
	s0 =	simm.s32 @p1 $0x1  }
0x15: {  	[smem:$0x3FA4] =	sst s0;
	s0 =	simm.s32 @!p2 $0x0  }
0x16: {  	s3 =	sld [smem:$0x3FDB];
	s0 =	simm.s32 @p2 $0x1  }
0x17: {  	s4 =	simm.s32 $0x1BF5;
	[smem:$0x3FA6] =	sst s0  }
0x18: {  	s0 =	sld [smem:$0x3F89];
	_ =	swait.ge [sflag:s4], $0x0  }
0x19: {  	s7 =	sld [smem:$0x3F8A]  }
0x1a: {  	s8 =	sadd.s32 $0xFFFFE003, lr  }
0x1b: {  	s9 =	sadd.s32 $0xFFFFFEF7, lr;
	s5 =	simm.s32 $0xFFFFFFFF;
	p2 =	slt.u32 s8, $0xFFFFF086  }
0x1c: {  	p1 =	slt.u32 s9, $0xF7A;
	s5 =	simm.s32 @!p2 $0x0  }
0x1d: {  	s5 =	simm.s32 @p1 $0x1;
	p0 =	seq.s32 s7, s2  }
0x1e: {  	s7 =	smul.u32 @!p0 $0xF7A, s2;
	p2 =	seq.s32 @!p0 s5, $0x0  }
0x1f: {  	s9 =	smul.u32 $0xF7A, s1;
	s8 =	simm.s32 @!p0 $0x1BF5;
	p2 =	por !p2, p0  }
0x20: {  	[sflag:s8] =	ssyncset.s32 @!p0 $0xFFFFF086;
	s6 =	sadd.s32 @!p0 s3, s7;
	s7 =	simm.s32 @!p0 $0x108  }
0x21: {  	s3 =	sadd.s32 s3, s9;
	s6 =	sadd.s32 @!p0 $0x88, s6;
	s7 =	simm.s32 @p2 $0x1082  }
0x22: {  	[simem:s7], [sflag:s8] =	dma.local @!p0 [hbm:s6], $0xF7A  }
0x23: {  	s9 =	sor.u32 $0xD0000000, s2;
	s6 =	simm.s32 $0x108;
	_ =	swait.ge @!p0 [sflag:s8], $0x0  }
0x24: {  	s3 =	sadd.s32 $0x88, s3;
	s6 =	simm.s32 @!p1 $0x1082;
	[sflag:s4] =	ssyncset.s32 $0xFFFFF086  }
0x25: {  	[simem:s6], [sflag:s4] =	dma.local [hbm:s3], $0xF7A  }
0x26: {  	[smem:$0x3F8A] =	sst s1;
	(tag) =	ssettag s2;
	_ =	strace s9  }
0x27: {  	s1 =	sld [smem:$0x3F9A]  }
0x28: {  	s2 =	sld [smem:$0x3F9B]  }
0x29: {  	s4 =	sld [smem:$0x3F9D]  }
0x2a: {  	p0 =	seq.s32 s5, $0x0;
	s5 =	sld [smem:$0x3F9E]  }
0x2b: {  	s6 =	sld [smem:$0x3F9F]  }
0x2c: {  	s7 =	sld [smem:$0x3FA0]  }
0x2d: {  	s3 =	simm.s32 $0x108;
	s8 =	sld [smem:$0x3FA1]  }
0x2e: {  	s3 =	simm.s32 @!p0 $0x1082;
	s9 =	sld [smem:$0x3FA2]  }
0x2f: {  	lr =	sadd.s32 s0, s3;
	s0 =	sld [smem:$0x3F99]  }
0x30: {  	s3 =	sld [smem:$0x3F9C]  }
0x31: {  	[smem:$0x3FA5] =	sst s10  }
0x32: {  	s10 =	sld [smem:$0x3FA3];
	_ =	sdelay $0x3  }
0x33: {  	p0 =	seq.s32 s10, $0x1;
	s10 =	sld [smem:$0x3FA5];
	_ =	sdelay $0x3  }
0x34: {  	[smem:$0x3FA5] =	sst s10  }
0x35: {  	s10 =	sld [smem:$0x3FA4];
	_ =	sdelay $0x3  }
0x36: {  	p1 =	seq.s32 s10, $0x1;
	s10 =	sld [smem:$0x3FA5];
	_ =	sdelay $0x3  }
0x37: {  	[smem:$0x3FA5] =	sst s10  }
0x38: {  	s10 =	sld [smem:$0x3FA6]  }
0x39: {  	_ = 	snop;
	(pc) =	sbr.ind lr, $3  }
0x3a: {  	_ = 	snop  }
0x3b: {  	_ = 	snop  }
0x3c: {  	p2 =	seq.s32 s10, $0x1;
	s10 =	sld [smem:$0x3FA5]  }
0x3d: {  	_ =	shalt  }
0x3e: {  	_ =	shalt  }
0x3f: {  	_ =	shalt  }
0x40: {  	_ =	shalt  }
0x41: {  	_ =	shalt  }
0x42: {  	_ =	shalt  }
0x43: {  	_ =	shalt  }
0x44: {  	_ =	shalt  }
0x45: {  	_ =	shalt  }
0x46: {  	_ =	shalt  }
0x47: {  	_ =	shalt  }
0x48: {  	_ =	shalt  }
0x49: {  	_ =	shalt  }
0x4a: {  	_ =	shalt  }
0x4b: {  	_ =	shalt  }
0x4c: {  	_ =	shalt  }
0x4d: {  	_ =	shalt  }
0x4e: {  	_ =	shalt  }
0x4f: {  	_ =	shalt  }
0x50: {  	_ =	shalt  }
0x51: {  	_ =	shalt  }
0x52: {  	_ =	shalt  }
0x53: {  	_ =	shalt  }
0x54: {  	_ =	shalt  }
0x55: {  	_ =	shalt  }
0x56: {  	_ =	shalt  }
0x57: {  	_ =	shalt  }
0x58: {  	_ =	shalt  }
0x59: {  	_ =	shalt  }
0x5a: {  	_ =	shalt  }
0x5b: {  	_ =	shalt  }
0x5c: {  	_ =	shalt  }
0x5d: {  	_ =	shalt  }
0x5e: {  	_ =	shalt  }
0x5f: {  	_ =	shalt  }
0x60: {  	_ =	shalt  }
0x61: {  	_ =	shalt  }
0x62: {  	_ =	shalt  }
0x63: {  	_ =	shalt  }
0x64: {  	_ =	shalt  }
0x65: {  	_ =	shalt  }
0x66: {  	_ =	shalt  }
0x67: {  	_ =	shalt  }
0x68: {  	_ =	shalt  }
0x69: {  	_ =	shalt  }
0x6a: {  	_ =	shalt  }
0x6b: {  	_ =	shalt  }
0x6c: {  	_ =	shalt  }
0x6d: {  	_ =	shalt  }
0x6e: {  	_ =	shalt  }
0x6f: {  	_ =	shalt  }
0x70: {  	_ =	shalt  }
0x71: {  	_ =	shalt  }
0x72: {  	_ =	shalt  }
0x73: {  	_ =	shalt  }
0x74: {  	_ =	shalt  }
0x75: {  	_ =	shalt  }
0x76: {  	_ =	shalt  }
0x77: {  	_ =	shalt  }
0x78: {  	_ =	shalt  }
0x79: {  	_ =	shalt  }
0x7a: {  	_ =	shalt  }
0x7b: {  	_ =	shalt  }
0x7c: {  	_ =	shalt  }
0x7d: {  	_ =	shalt  }
0x7e: {  	_ =	shalt  }
0x7f: {  	_ =	shalt  }
0x80: {  	_ =	shalt  }
0x81: {  	_ =	shalt  }
0x82: {  	_ =	shalt  }
0x83: {  	_ =	shalt  }
0x84: {  	_ =	shalt  }
0x85: {  	_ =	shalt  }
0x86: {  	_ =	shalt  }
0x87: {  	_ =	shalt  }
.Lfunc_end0:
.L_simem_size_0:
called_computation.3_lowered:
.L_overlay_start_0:
0x88: {  	s2 =	sld [smem:$0x3FD9]  }
0x89: {  	s3 =	sld [smem:$0x3FFE];
	_ =	sdelay $0x1  }
0x8a: {  	s1 =	srdreg.scid  }
0x8b: {  	s0 =	sand.u32 $0x1, s1  }
0x8c: {  	s16 =	sshll.u32 s0, $0xA;
	s2 =	sadd.s32 s3, s2  }
0x8d: {  	s2 =	sadd.s32 s2, s16  }
0x8e: {  	[smem:$0x3FB1] =	sst s2  }
0x8f: {  	_ = 	snop  }
0x90: {  	(tm) =	ssettm $0x1  }
0x91: {  	s17 =	sld [smem:$0x3FFB];
	_ =	sdelay $0x3  }
0x92: {  	_ =	strace s17  }
0x93: {  	s2 =	sld [smem:$0x3FFC];
	_ =	sdelay $0x3  }
0x94: {  	_ =	strace s2  }
0x95: {  	s2 =	sld [smem:$0x3FFD];
	_ =	sdelay $0x3  }
0x96: {  	_ =	strace s2  }
0x97: {  	_ =	strace $0x8FFFFFFF  }
0x98: {  	s18 =	sld [smem:$0x3FDB];
	_ =	sdelay $0x1  }
0x99: {  	s19 =	simm.s32 $_scs_section_size  }
0x9a: {  	s4 =	simm.s32 $_size__tile_overlayer_lowered;
	s5 =	simm.s32 $_tile_overlayer_lowered  }
0x9b: {  	s22 =	simm.s32 $0x1BFF;
	s21 =	sshll.u32 s5, $0x1;
	s2 =	sadd.s32 s19, s18  }
0x9c: {  	s6 =	simm.s32 $0x0;
	s20 =	sshll.u32 s4, $0x1;
	s4 =	sadd.s32 s21, s2  }
0x9d: {  	[timem:s6], [sflag:s22] =	dma.local [hbm:s4], s20  }
0x9e: {  	_ =	swait.ge [sflag:s22], s20  }
0x9f: {  	s3 =	ssub.s32 $0x0, s20;
	[sflag:s22] =	ssyncset.done $0x0  }
0xa0: {  	[sflag:s22] =	ssyncadd.s32 s3;
	_ =	sdelay $0x1  }
0xa1: {  	s23 =	simm.s32 $0x1B8B  }
0xa2: {  	_ =	swait.ge [sflag:s23], $0x1  }
0xa3: {  	[sflag:s23] =	ssyncset.done $0x0  }
0xa4: {  	s25 =	simm.s32 $0x1B8E;
	s24 =	sld [smem:$0x3FFE];
	[sflag:s23] =	ssyncadd.s32 $0xFFFFFFFF  }
0xa5: {  	s26 =	simm.s32 $execute0_lowered;
	[smem:$0x3FD2] =	sst s25  }
0xa6: {  	s4 =	sshll.u32 s26, $0x1;
	_ =	strace $0x8000004C;
	[dreg:$0x1] =	wrdreg $0xFFFFFFFF  }
0xa7: {  	s28 =	simm.s32 $_size_execute0_lowered;
	s2 =	sadd.s32 s2, s4;
	[dreg:$0x0] =	wrdreg $0x0  }
0xa8: {  	s4 =	sshll.u32 s28, $0x1;
	[dreg:$0x2] =	wrdreg s2  }
0xa9: {  	[dreg:$0x3] =	wrdreg s4  }
0xaa: {  	[dreg:$0x4] =	wrdreg $0xC0  }
0xab: {  	_ =	task [dreg:s6], $0x5FFFF  }
0xac: {  	[dreg:$0x1] =	wrdreg $0xFFFFFFFF  }
0xad: {  	[dreg:$0x0] =	wrdreg $0x60  }
0xae: {  	[dreg:$0x2] =	wrdreg s24  }
0xaf: {  	[dreg:$0x3] =	wrdreg $0xA  }
0xb0: {  	_ =	task.clear_ibuf [dreg:s6], $0x4FFFF;
	_ =	strace $0x9000004C  }
0xb1: {  	s29 =	simm.s32 $0xA;
	_ =	strace $0x8000004E  }
0xb2: {  	_ =	swait.ge [sflag:s29], $0x1  }
0xb3: {  	[sflag:s29] =	ssyncadd.s32 $0xFFFFFFFF  }
0xb4: {  	_ =	strace $0x9000004E  }
0xb5: {  	_ =	sfence  }
0xb6: {  	s30 =	sld [smem:$0x0];
	_ =	sdelay $0x2  }
0xb7: {  	s31 =	sshll.u32 s1, $0xD;
	s1 =	sshrl.u32 s1, $0x2  }
0xb8: {  	s3 =	sand.u32 $0x4000, s31;
	s1 =	sadd.s32 s1, s30  }
0xb9: {  	s0 =	sor.u32 s3, s0;
	s1 =	sshll.u32 s1, $0x11  }
0xba: {  	s0 =	sor.u32 s1, s0  }
0xbb: {  	s0 =	sadd.s32 $0x8F2B, s0  }
0xbc: {  	[sflag:s0] =	ssyncadd.remote.s32 $0x1  }
0xbd: {  	_ =	sfence.sel $0xFFFF  }
0xbe: {  	[dreg:$0x0] =	wrdreg $0xFFFFFFFF;
	(pc) =	sbr.abs _section_cstart, $3  }
0xbf: {  	[dreg:$0x1] =	wrdreg $0xFFFFFFFF  }
0xc0: {  	_ =	task.clear_ibuf [dreg:s6], $0x2FFFF;
	_ =	strace $0x9FFFFFFF  }
0xc1: {  	(tm) =	ssettm $0x7FFFFFFF  }
tec
execute0_lowered:
.L_overlay_start_1:
0x0: {  	(tag) =	ssettag $0x1  }
0x1: {  	s1 =	srdreg.scid  }
0x2: {  	s0 =	stileid.u32;
	s4 =	rddreg [dreg:$0x0];
	s2 =	simm.s32 $0x0  }
0x3: {  	s10 =	simm.s32 $0x3E8;
	s11 =	simm.s32 $0x7D0;
	s6 =	smul.u32 $0x2710, s0  }
0x4: {  	s12 =	simm.s32 $0x1;
	s5 =	sand.u32 $0x1, s1;
	s8 =	smul.u32 $0x27100, s0  }
0x5: {  	s13 =	simm.s32 $0x0;
	s1 =	rddreg [dreg:$0x1];
	s7 =	smul.u32 $0x1388, s5  }
0x6: {  	[smem:$0x7FF] =	sst s2;
	s3 =	sadd.s32 $0xB000, s4;
	s9 =	smul.u32 $0x13880, s5  }
0x7: {  	_ =	strace $0x8000004D;
	s5 =	ssub.s32 $0x2, s5;
	s29 =	sadd.s32 s8, s4  }
0x8: {  	s30 =	sshrl.u32 s5, $0x1;
	s6 =	sadd.s32 s7, s6;
	s7 =	sadd.s32 s9, s29  }
0x9: {  	s5 =	ssub.s32 s5, s30;
	s9 =	simm.s32 $0x2;
	s6 =	sshrl.u32 s6, $0x3  }
0xa: {  	s31 =	sadd.s32 s6, s4;
	s4 =	sadd.s32 $0x94B800, s7;
	s6 =	sadd.s32 $0x6DA800, s7  }
0xb: {  	s5 =	smax.u32 s5, $0x1;
	s7 =	sadd.s32 $0x6D5800, s31;
	s8 =	sadd.s32 $0x6000, s31  }
.LBB2_1:
0xc: {  	s14 =	sadd.s32 $0x0, s8  }
0xd: {  	[tilespmem:s2], [sflag:$0x2] =	stream.linear.gather [hbm4b:s14+s2], $0x3E8, $0x38;
	[tilespmem:$0x1FBD0] =	vst v63  }
0xe: {  	_ =	swait.ge [sflag:s9], $0x3E8  }
0xf: {  	[sflag:s9] =	ssyncset.done $0x0  }
0x10: {  	s31 =	sadd.s32 $0x0, s7;
	[sflag:s9] =	ssyncadd.s32 $0xFFFFFC18  }
0x11: {  	[tilespmem:s10], [sflag:$0x2] =	stream.linear.gather [hbm4b:s31+s2], $0x3E8, $0x38;
	[tilespmem:$0x1FBD0] =	vst v63  }
0x12: {  	_ =	swait.ge [sflag:s9], $0x3E8  }
0x13: {  	[sflag:s9] =	ssyncset.done $0x0  }
0x14: {  	[sflag:s9] =	ssyncadd.s32 $0xFFFFFC18  }
0x15: {  	[tilespmem:s11], [sflag:$0x1] =	stream.indirect.gather [hbm4b:s3+s10], $0x80, s2, s10, $0xb8;
	[tilespmem:$0x1FBD0] =	vst v63  }
0x16: {  	_ =	swait.ge [sflag:s12], $0x1F400  }
0x17: {  	[sflag:s12] =	ssyncset.done $0x0  }
0x18: {  	[sflag:s12] =	ssyncadd.s32 $0xFFFE0C00  }
0x19: {  	[hbm4b:s6+s2] =	stream.linear.scatter [tilespmem:s11], [sflag:$0x2], $0x1F400, $0x38;
	[tilespmem:$0x1FBD0] =	vst v63  }
0x1a: {  	_ =	swait.ge [sflag:s9], $0x1F400  }
0x1b: {  	[sflag:s9] =	ssyncset.done $0x0  }
0x1c: {  	[sflag:s9] =	ssyncadd.s32 $0xFFFE0C00  }
0x1d: {  	[tilespmem:s11], [sflag:$0x1] =	stream.indirect.gather [hbm4b:s3+s10], $0x80, s10, s10, $0xb8;
	[tilespmem:$0x1FBD0] =	vst v63  }
0x1e: {  	_ =	swait.ge [sflag:s12], $0x1F400  }
0x1f: {  	[sflag:s12] =	ssyncset.done $0x0  }
0x20: {  	[sflag:s12] =	ssyncadd.s32 $0xFFFE0C00  }
0x21: {  	[hbm4b:s4+s2] =	stream.linear.scatter [tilespmem:s11], [sflag:$0x2], $0x1F400, $0x38;
	[tilespmem:$0x1FBD0] =	vst v63  }
0x22: {  	s16 =	simm.s32 $0x7D;
	s17 =	simm.s32 $0xFA;
	_ =	swait.ge [sflag:s9], $0x1F400  }
0x23: {  	s15 =	sadd.s32 $0x3E80, s6;
	s14 =	sadd.s32 $0x3E80, s4;
	[sflag:s9] =	ssyncset.done $0x0  }
.LBB2_2:
0x24: {  	s18 =	sadd.s32 s16, s8  }
0x25: {  	[sflag:s9] =	ssyncadd.s32 $0xFFFE0C00;
	s19 =	smov.u32 s17;
	s20 =	sadd.s32 $0x7D, s17  }
0x26: {  	[tilespmem:s2], [sflag:$0x2] =	stream.linear.gather [hbm4b:s18+s2], $0x3E8, $0x38;
	[tilespmem:$0x1FBD0] =	vst v63  }
0x27: {  	p0 =	sne.s32 s17, $0x1F4;
	_ =	swait.ge [sflag:s9], $0x3E8  }
0x28: {  	[sflag:s9] =	ssyncset.done $0x0  }
0x29: {  	s17 =	sadd.s32 s16, s7;
	s16 =	smov.u32 s19;
	[sflag:s9] =	ssyncadd.s32 $0xFFFFFC18  }
0x2a: {  	[tilespmem:s10], [sflag:$0x2] =	stream.linear.gather [hbm4b:s17+s2], $0x3E8, $0x38;
	[tilespmem:$0x1FBD0] =	vst v63  }
0x2b: {  	_ =	swait.ge [sflag:s9], $0x3E8  }
0x2c: {  	[sflag:s9] =	ssyncset.done $0x0  }
0x2d: {  	[sflag:s9] =	ssyncadd.s32 $0xFFFFFC18  }
0x2e: {  	[tilespmem:s11], [sflag:$0x1] =	stream.indirect.gather [hbm4b:s3+s10], $0x80, s2, s10, $0xb8;
	[tilespmem:$0x1FBD0] =	vst v63  }
0x2f: {  	_ =	swait.ge [sflag:s12], $0x1F400  }
0x30: {  	[sflag:s12] =	ssyncset.done $0x0  }
0x31: {  	[sflag:s12] =	ssyncadd.s32 $0xFFFE0C00  }
0x32: {  	[hbm4b:s15+s2] =	stream.linear.scatter [tilespmem:s11], [sflag:$0x2], $0x1F400, $0x38;
	[tilespmem:$0x1FBD0] =	vst v63  }
0x33: {  	_ =	swait.ge [sflag:s9], $0x1F400  }
0x34: {  	[sflag:s9] =	ssyncset.done $0x0  }
0x35: {  	[sflag:s9] =	ssyncadd.s32 $0xFFFE0C00  }
0x36: {  	[tilespmem:s11], [sflag:$0x1] =	stream.indirect.gather [hbm4b:s3+s10], $0x80, s10, s10, $0xb8;
	[tilespmem:$0x1FBD0] =	vst v63  }
0x37: {  	_ =	swait.ge [sflag:s12], $0x1F400  }
.Ltmp0:
0x38: {  	[sflag:s12] =	ssyncset.done $0x0;
	(pc) =	sbr.rel @p0 .LBB2_2-.Ltmp0, $4  }
0x39: {  	[sflag:s12] =	ssyncadd.s32 $0xFFFE0C00  }
0x3a: {  	[hbm4b:s14+s2] =	stream.linear.scatter [tilespmem:s11], [sflag:$0x2], $0x1F400, $0x38;
	[tilespmem:$0x1FBD0] =	vst v63  }
0x3b: {  	s17 =	smov.u32 s20;
	_ =	swait.ge [sflag:s9], $0x1F400  }
0x3c: {  	s15 =	sadd.s32 $0x3E80, s15;
	s14 =	sadd.s32 $0x3E80, s14;
	[sflag:s9] =	ssyncset.done $0x0  }
0x3d: {  	s17 =	sadd.s32 s16, s8;
	[sflag:s9] =	ssyncadd.s32 $0xFFFE0C00  }
0x3e: {  	[tilespmem:s2], [sflag:$0x2] =	stream.linear.gather [hbm4b:s17+s2], $0x3E8, $0x38;
	[tilespmem:$0x1FBD0] =	vst v63  }
0x3f: {  	_ =	swait.ge [sflag:s9], $0x3E8  }
0x40: {  	[sflag:s9] =	ssyncset.done $0x0  }
0x41: {  	s31 =	sadd.s32 s16, s7;
	[sflag:s9] =	ssyncadd.s32 $0xFFFFFC18  }
0x42: {  	[tilespmem:s10], [sflag:$0x2] =	stream.linear.gather [hbm4b:s31+s2], $0x3E8, $0x38;
	[tilespmem:$0x1FBD0] =	vst v63  }
0x43: {  	_ =	swait.ge [sflag:s9], $0x3E8  }
0x44: {  	[sflag:s9] =	ssyncset.done $0x0  }
0x45: {  	[sflag:s9] =	ssyncadd.s32 $0xFFFFFC18  }
0x46: {  	[tilespmem:s11], [sflag:$0x1] =	stream.indirect.gather [hbm4b:s3+s10], $0x80, s2, s10, $0xb8;
	[tilespmem:$0x1FBD0] =	vst v63  }
0x47: {  	_ =	swait.ge [sflag:s12], $0x1F400  }
0x48: {  	[sflag:s12] =	ssyncset.done $0x0  }
0x49: {  	[sflag:s12] =	ssyncadd.s32 $0xFFFE0C00  }
0x4a: {  	[hbm4b:s15+s2] =	stream.linear.scatter [tilespmem:s11], [sflag:$0x2], $0x1F400, $0x38;
	[tilespmem:$0x1FBD0] =	vst v63  }
0x4b: {  	_ =	swait.ge [sflag:s9], $0x1F400  }
0x4c: {  	[sflag:s9] =	ssyncset.done $0x0  }
0x4d: {  	[sflag:s9] =	ssyncadd.s32 $0xFFFE0C00  }
0x4e: {  	[tilespmem:s11], [sflag:$0x1] =	stream.indirect.gather [hbm4b:s3+s10], $0x80, s10, s10, $0xb8;
	[tilespmem:$0x1FBD0] =	vst v63  }
0x4f: {  	s13 =	sadd.s32 $0x1, s13;
	_ =	swait.ge [sflag:s12], $0x1F400  }
0x50: {  	p0 =	sne.s32 s13, s5;
	[sflag:s12] =	ssyncset.done $0x0  }
.Ltmp1:
0x51: {  	[sflag:s12] =	ssyncadd.s32 $0xFFFE0C00;
	(pc) =	sbr.rel @p0 .LBB2_1-.Ltmp1, $4  }
0x52: {  	[hbm4b:s14+s2] =	stream.linear.scatter [tilespmem:s11], [sflag:$0x2], $0x1F400, $0x38;
	[tilespmem:$0x1FBD0] =	vst v63  }
0x53: {  	_ =	swait.ge [sflag:s9], $0x1F400  }
0x54: {  	[sflag:s9] =	ssyncset.done $0x0  }
0x55: {  	[sflag:s9] =	ssyncadd.s32 $0xFFFE0C00  }
0x56: {  	_ =	sfence.sel $0x180000  }
0x57: {  	[bflag:$0x0] =	sbarrier.arrive $0xFFFF  }
0x58: {  	p0 =	sne.s32 s0, $0x0;
	_ =	strace $0x9000004D  }
0x59: {  	s0 =	sadd.s32 @!p0 $0x100000, s1;
	[bflag:$0x2] =	sbarrier.arrive $0xFFFF  }
0x5a: {  	[sflag:s0] =	ssyncadd.tile.s32 @!p0 $0x1;
	_ =	shalt  }
.Lfunc_end2:
_tile_overlayer_lowered:
.L_overlay_start_2:
0x5b: {  	(tag) =	ssettag $0x2  }
0x5c: {  	s0 =	rddreg [dreg:$0x0];
	s2 =	stileid.u32  }
0x5d: {  	s1 =	rddreg [dreg:$0x1];
	p0 =	sne.s32 s2, $0x0  }
0x5e: {  	s3 =	rddreg [dreg:$0x2];
	[bflag:$0x3] =	sbarrier.arrive $0xFFFF;
	s2 =	simm.s32 @!p0 $0x1C02  }
0x5f: {  	[timem:s3], [sflag:s2] =	dma.local @!p0 [hbm:s0], s1  }
0x60: {  	s0 =	simm.s32 @!p0 $0x2  }
0x61: {  	_ =	swait.ge @!p0 [sflag:s0], s1  }
0x62: {  	s1 =	ssub.s32 @!p0 $0x0, s1;
	[sflag:s0] =	ssyncset.done @!p0 $0x0  }
0x63: {  	[sflag:s0] =	ssyncadd.s32 @!p0 s1  }
0x64: {  	[bflag:$0x3] =	sbarrier.arrive $0xFFFF  }
0x65: {  	_ =	shalt  }

</sc_bundles>
